<compile_context>
chip_gen: v7x
topology: tpu7x:2x2x1
jax: 0.10.2.dev20260603
libtpu: 0.0.44.dev20260713+nightly
codegen_flags: <defaults>
</compile_context>

<pallas_src>
import jax
import jax.numpy as jnp
from jax import lax
from jax.experimental import pallas as pl
from jax.experimental.pallas import tpu as pltpu
from jax.experimental.pallas import tpu_sc as plsc

BATCH = 4
SEQ_LEN = 4096
D_MODEL = 1024
TOT = BATCH * SEQ_LEN

NUM_CORES = 2
NUM_SUBCORES = 16
NW = NUM_CORES * NUM_SUBCORES
B_PER_W = TOT // NW
W_PER_ROW = SEQ_LEN // B_PER_W

CHUNK = 8
NBUF = 8
NCHUNK = B_PER_W // CHUNK
NGROUP = NCHUNK // NBUF


def _emb_body(ids_hbm, table_hbm, out_hbm, idx_v, rows_v, gsems, ssems):
    wid = lax.axis_index("s") * NUM_CORES + lax.axis_index("c")
    row = wid // W_PER_ROW
    col = pl.multiple_of((wid % W_PER_ROW) * B_PER_W, 8)

    pltpu.sync_copy(ids_hbm.at[row, pl.ds(col, B_PER_W)], idx_v)

    def gather_start(c, b):
        off = pl.multiple_of(c * CHUNK, 8)
        pltpu.async_copy(
            table_hbm.at[idx_v.at[pl.ds(off, CHUNK)]], rows_v.at[b],
            gsems.at[b])

    def gather_wait(b):
        pltpu.make_async_copy(
            table_hbm.at[idx_v.at[pl.ds(0, CHUNK)]], rows_v.at[b],
            gsems.at[b]).wait()

    def store_start(c, b):
        off = pl.multiple_of(col + c * CHUNK, 8)
        pltpu.async_copy(
            rows_v.at[b], out_hbm.at[row, pl.ds(off, CHUNK), :], ssems.at[b])

    def store_wait(b):
        pltpu.make_async_copy(
            rows_v.at[b], out_hbm.at[row, pl.ds(col, CHUNK), :],
            ssems.at[b]).wait()

    for b in range(NBUF):
        gather_start(b, b)

    def group(g, carry):
        for b in range(NBUF):
            c = g * NBUF + b
            gather_wait(b)
            store_start(c, b)
            store_wait(b)
            gather_start(c + NBUF, b)
        return carry

    lax.fori_loop(0, NGROUP - 1, group, None)

    for b in range(NBUF):
        c = NCHUNK - NBUF + b
        gather_wait(b)
        store_start(c, b)
    for b in range(NBUF):
        store_wait(b)


@jax.jit
def _emb(ids, table):
    mesh = plsc.VectorSubcoreMesh(
        core_axis_name="c", subcore_axis_name="s",
        num_cores=NUM_CORES, num_subcores=NUM_SUBCORES)
    return pl.kernel(
        _emb_body,
        out_type=jax.ShapeDtypeStruct((BATCH, SEQ_LEN, D_MODEL), jnp.float32),
        mesh=mesh,
        scratch_types=[
            pltpu.VMEM((B_PER_W,), jnp.int32),
            pltpu.VMEM((NBUF, CHUNK, D_MODEL), jnp.float32),
            pltpu.SemaphoreType.DMA((NBUF,)),
            pltpu.SemaphoreType.DMA((NBUF,)),
        ],
    )(ids, table)


def kernel(input_ids, table):
    return _emb(input_ids.astype(jnp.int32), table)

# --- scband reference (transcript-rebuilt; emitter-appended) ---
"""Pipeline reference for scband-ioembedding-77077483094627 (READ-ONLY COPY).

The authoritative reference and input builder live on the scoring server;
editing this copy changes nothing except your own understanding.
"""

import jax, jax.numpy as jnp
import numpy as np

VOCAB = 100000
D_MODEL = 1024
PADDING_ID = 0
BATCH = 4
SEQ_LEN = 4096


def setup_inputs(seed: int = 0) -> dict:
    key = jax.random.key(seed)
    k_ids, k_tab = jax.random.split(key)
    input_ids = jax.random.randint(k_ids, (BATCH, SEQ_LEN), 0, VOCAB, dtype=jnp.int64 if jax.config.jax_enable_x64 else jnp.int32)
    table = jax.random.normal(k_tab, (VOCAB, D_MODEL), dtype=jnp.float32) * 0.02
    # nn.Embedding with padding_idx zeros out the padding row
    table = table.at[PADDING_ID].set(0.0)
    return {"input_ids": input_ids, "table": table}


def reference(input_ids, table):
    # Faithful translation of nn.Embedding(vocab, d_model, padding_idx)(input_ids)
    return jnp.take(table, input_ids, axis=0)

if __name__ == "__main__":
    import jax
    _d = setup_inputs()
    print(jax.jit(kernel)(*tuple(_d.values())))

</pallas_src>

<mosaic_0001>
#map = affine_map<(d0, d1) -> (0, 0)>
#map1 = affine_map<(d0, d1) -> (0, 0, 0)>
module attributes {stable_mosaic.version = 14 : i64} {
  func.func @_emb_body(%arg0: i32, %arg1: i32, %arg2: memref<4x4096xi32, #tpu.memory_space<hbm>>, %arg3: memref<100000x1024xf32, #tpu.memory_space<hbm>>, %arg4: memref<4x4096x1024xf32, #tpu.memory_space<hbm>>, %arg5: memref<512xi32, #tpu.memory_space<vmem>>, %arg6: memref<8x8x1024xf32, #tpu.memory_space<vmem>>, %arg7: memref<8x!tpu.dma_semaphore, #tpu.memory_space<semaphore_mem>>, %arg8: memref<8x!tpu.dma_semaphore, #tpu.memory_space<semaphore_mem>>) attributes {dimension_semantics = [#tpu.dimension_semantics<core_parallel>, #tpu.dimension_semantics<subcore_parallel>], iteration_bounds = array<i64: 2, 16>, scalar_prefetch = 0 : i64, scratch_operands = 4 : i64, tpu.core_type = #tpu.core_type<sc_vector_subcore>, window_params = [{transform_indices = #map}, {transform_indices = #map}, {transform_indices = #map1}]} {
    %mul3A = arith.constant 2 : i32
    %mul3A_0 = arith.muli %arg1, %mul3A : i32
    %add3A = arith.addi %mul3A_0, %arg0 : i32
    %jit3A = arith.constant 8 : i32
    %div3A = arith.divsi %add3A, %jit3A : i32
    %sign3A = arith.constant 0 : i32
    %sign3A_1 = arith.cmpi sgt, %add3A, %sign3A : i32
    %sign3A_2 = arith.extui %sign3A_1 : i1 to i32
    %sign3A_3 = arith.constant 0 : i32
    %sign3A_4 = arith.cmpi slt, %add3A, %sign3A_3 : i32
    %sign3A_5 = arith.extui %sign3A_4 : i1 to i32
    %sign3A_6 = arith.subi %sign3A_2, %sign3A_5 : i32
    %sign3A_7 = arith.constant 0 : i32
    %sign3A_8 = arith.cmpi sgt, %jit3A, %sign3A_7 : i32
    %sign3A_9 = arith.extui %sign3A_8 : i1 to i32
    %sign3A_10 = arith.constant 0 : i32
    %sign3A_11 = arith.cmpi slt, %jit3A, %sign3A_10 : i32
    %sign3A_12 = arith.extui %sign3A_11 : i1 to i32
    %sign3A_13 = arith.subi %sign3A_9, %sign3A_12 : i32
    %ne3A = arith.cmpi ne, %sign3A_6, %sign3A_13 : i32
    %rem3A = arith.remsi %add3A, %jit3A : i32
    %ne3A_14 = arith.constant 0 : i32
    %ne3A_15 = arith.cmpi ne, %rem3A, %ne3A_14 : i32
    %and3A = arith.andi %ne3A, %ne3A_15 : i1
    %sub3A = arith.constant 1 : i32
    %sub3A_16 = arith.subi %div3A, %sub3A : i32
    %select_n3A = arith.select %and3A, %sub3A_16, %div3A : i32
    %jit3A_17 = arith.constant 8 : i32
    %eq3A = arith.constant 0 : i32
    %eq3A_18 = arith.cmpi eq, %jit3A_17, %eq3A : i32
    %jit3A_19 = arith.constant 1 : i32
    %select_n3A_20 = arith.select %eq3A_18, %jit3A_19, %jit3A_17 : i32
    %rem3A_21 = arith.remsi %add3A, %select_n3A_20 : i32
    %ne3A_22 = arith.constant 0 : i32
    %ne3A_23 = arith.cmpi ne, %rem3A_21, %ne3A_22 : i32
    %lt3A = arith.constant 0 : i32
    %lt3A_24 = arith.cmpi slt, %rem3A_21, %lt3A : i32
    %lt3A_25 = arith.constant 0 : i32
    %lt3A_26 = arith.cmpi slt, %select_n3A_20, %lt3A_25 : i32
    %ne3A_27 = arith.xori %lt3A_24, %lt3A_26 : i1
    %and3A_28 = arith.andi %ne3A_27, %ne3A_23 : i1
    %add3A_29 = arith.addi %rem3A_21, %select_n3A_20 : i32
    %select_n3A_30 = arith.select %and3A_28, %add3A_29, %rem3A_21 : i32
    %mul3A_31 = arith.constant 512 : i32
    %mul3A_32 = arith.muli %select_n3A_30, %mul3A_31 : i32
    %multiple_of3A = tpu.assume_multiple %mul3A_32, 8 : i32
    "tpu.region"() ({
      %run_scoped3A = tpu.sem_alloc : memref<!tpu.dma_semaphore, #tpu.memory_space<semaphore_mem>>
      %dma_start3A_563 = tpu.memref_slice %arg2[%select_n3A, %multiple_of3A] : memref<4x4096xi32, #tpu.memory_space<hbm>> -> memref<1x512xi32, #tpu.memory_space<hbm>>
      %dma_start3A_564 = tpu.memref_squeeze %dma_start3A_563 : memref<1x512xi32, #tpu.memory_space<hbm>> -> memref<512xi32, #tpu.memory_space<hbm>>
      %dma_start3A_565 = tpu.memref_slice %arg2[%select_n3A, %multiple_of3A] : memref<4x4096xi32, #tpu.memory_space<hbm>> -> memref<1x512xi32, #tpu.memory_space<hbm>>
      %dma_start3A_566 = tpu.memref_squeeze %dma_start3A_565 : memref<1x512xi32, #tpu.memory_space<hbm>> -> memref<512xi32, #tpu.memory_space<hbm>>
      tpu.enqueue_dma source(%dma_start3A_566 : memref<512xi32, #tpu.memory_space<hbm>>) target(%arg5 : memref<512xi32, #tpu.memory_space<vmem>>) target_semaphore(%run_scoped3A : memref<!tpu.dma_semaphore, #tpu.memory_space<semaphore_mem>>)
      %dma_wait3A_567 = tpu.memref_slice %arg2[%select_n3A, %multiple_of3A] : memref<4x4096xi32, #tpu.memory_space<hbm>> -> memref<1x512xi32, #tpu.memory_space<hbm>>
      %dma_wait3A_568 = tpu.memref_squeeze %dma_wait3A_567 : memref<1x512xi32, #tpu.memory_space<hbm>> -> memref<512xi32, #tpu.memory_space<hbm>>
      %dma_wait3A_569 = tpu.memref_slice %arg2[%select_n3A, %multiple_of3A] : memref<4x4096xi32, #tpu.memory_space<hbm>> -> memref<1x512xi32, #tpu.memory_space<hbm>>
      %dma_wait3A_570 = tpu.memref_squeeze %dma_wait3A_569 : memref<1x512xi32, #tpu.memory_space<hbm>> -> memref<512xi32, #tpu.memory_space<hbm>>
      tpu.wait_dma2 semaphore(%run_scoped3A : memref<!tpu.dma_semaphore, #tpu.memory_space<semaphore_mem>>) src(%dma_wait3A_570 : memref<512xi32, #tpu.memory_space<hbm>>) dst(%arg5 : memref<512xi32, #tpu.memory_space<vmem>>)
      tpu.yield
    }) : () -> ()
    %multiple_of3A_33 = arith.constant 0 : i32
    %multiple_of3A_34 = tpu.assume_multiple %multiple_of3A_33, 8 : i32
    %dma_start3A = arith.constant 0 : i32
    %dma_start3A_35 = arith.constant 0 : i32
    %dma_start3A_36 = arith.constant 0 : i32
    %dma_start3A_37 = arith.constant 0 : i32
    %dma_start3A_38 = tpu.memref_slice %arg6[%dma_start3A, %dma_start3A_36, %dma_start3A_37] : memref<8x8x1024xf32, #tpu.memory_space<vmem>> -> memref<1x8x1024xf32, #tpu.memory_space<vmem>>
    %dma_start3A_39 = tpu.memref_squeeze %dma_start3A_38 : memref<1x8x1024xf32, #tpu.memory_space<vmem>> -> memref<8x1024xf32, #tpu.memory_space<vmem>>
    %dma_start3A_40 = tpu.memref_slice %arg5[%multiple_of3A_34] : memref<512xi32, #tpu.memory_space<vmem>> -> memref<8xi32, #tpu.memory_space<vmem>>
    %dma_start3A_41 = arith.constant 0 : i32
    %dma_start3A_42 = arith.constant 0 : i32
    %dma_start3A_43 = tpu.memref_slice %arg3[%dma_start3A_41, %dma_start3A_42] : memref<100000x1024xf32, #tpu.memory_space<hbm>> -> memref<100000x1024xf32, #tpu.memory_space<hbm>>
    %dma_start3A_44 = tpu.memref_slice %arg7[%dma_start3A_35] : memref<8x!tpu.dma_semaphore, #tpu.memory_space<semaphore_mem>> -> memref<1x!tpu.dma_semaphore, #tpu.memory_space<semaphore_mem>>
    %dma_start3A_45 = tpu.memref_squeeze %dma_start3A_44 : memref<1x!tpu.dma_semaphore, #tpu.memory_space<semaphore_mem>> -> memref<!tpu.dma_semaphore, #tpu.memory_space<semaphore_mem>>
    tpu.enqueue_indirect_dma source(%dma_start3A_43 : memref<100000x1024xf32, #tpu.memory_space<hbm>>) target(%dma_start3A_39 : memref<8x1024xf32, #tpu.memory_space<vmem>>) offsets(%dma_start3A_40 : memref<8xi32, #tpu.memory_space<vmem>>) semaphore(%dma_start3A_45 : memref<!tpu.dma_semaphore, #tpu.memory_space<semaphore_mem>>)
    %multiple_of3A_46 = arith.constant 8 : i32
    %multiple_of3A_47 = tpu.assume_multiple %multiple_of3A_46, 8 : i32
    %dma_start3A_48 = arith.constant 1 : i32
    %dma_start3A_49 = arith.constant 1 : i32
    %dma_start3A_50 = arith.constant 0 : i32
    %dma_start3A_51 = arith.constant 0 : i32
    %dma_start3A_52 = tpu.memref_slice %arg6[%dma_start3A_48, %dma_start3A_50, %dma_start3A_51] : memref<8x8x1024xf32, #tpu.memory_space<vmem>> -> memref<1x8x1024xf32, #tpu.memory_space<vmem>>
    %dma_start3A_53 = tpu.memref_squeeze %dma_start3A_52 : memref<1x8x1024xf32, #tpu.memory_space<vmem>> -> memref<8x1024xf32, #tpu.memory_space<vmem>>
    %dma_start3A_54 = tpu.memref_slice %arg5[%multiple_of3A_47] : memref<512xi32, #tpu.memory_space<vmem>> -> memref<8xi32, #tpu.memory_space<vmem>>
    %dma_start3A_55 = arith.constant 0 : i32
    %dma_start3A_56 = arith.constant 0 : i32
    %dma_start3A_57 = tpu.memref_slice %arg3[%dma_start3A_55, %dma_start3A_56] : memref<100000x1024xf32, #tpu.memory_space<hbm>> -> memref<100000x1024xf32, #tpu.memory_space<hbm>>
    %dma_start3A_58 = tpu.memref_slice %arg7[%dma_start3A_49] : memref<8x!tpu.dma_semaphore, #tpu.memory_space<semaphore_mem>> -> memref<1x!tpu.dma_semaphore, #tpu.memory_space<semaphore_mem>>
    %dma_start3A_59 = tpu.memref_squeeze %dma_start3A_58 : memref<1x!tpu.dma_semaphore, #tpu.memory_space<semaphore_mem>> -> memref<!tpu.dma_semaphore, #tpu.memory_space<semaphore_mem>>
    tpu.enqueue_indirect_dma source(%dma_start3A_57 : memref<100000x1024xf32, #tpu.memory_space<hbm>>) target(%dma_start3A_53 : memref<8x1024xf32, #tpu.memory_space<vmem>>) offsets(%dma_start3A_54 : memref<8xi32, #tpu.memory_space<vmem>>) semaphore(%dma_start3A_59 : memref<!tpu.dma_semaphore, #tpu.memory_space<semaphore_mem>>)
    %multiple_of3A_60 = arith.constant 16 : i32
    %multiple_of3A_61 = tpu.assume_multiple %multiple_of3A_60, 8 : i32
    %dma_start3A_62 = arith.constant 2 : i32
    %dma_start3A_63 = arith.constant 2 : i32
    %dma_start3A_64 = arith.constant 0 : i32
    %dma_start3A_65 = arith.constant 0 : i32
    %dma_start3A_66 = tpu.memref_slice %arg6[%dma_start3A_62, %dma_start3A_64, %dma_start3A_65] : memref<8x8x1024xf32, #tpu.memory_space<vmem>> -> memref<1x8x1024xf32, #tpu.memory_space<vmem>>
    %dma_start3A_67 = tpu.memref_squeeze %dma_start3A_66 : memref<1x8x1024xf32, #tpu.memory_space<vmem>> -> memref<8x1024xf32, #tpu.memory_space<vmem>>
    %dma_start3A_68 = tpu.memref_slice %arg5[%multiple_of3A_61] : memref<512xi32, #tpu.memory_space<vmem>> -> memref<8xi32, #tpu.memory_space<vmem>>
    %dma_start3A_69 = arith.constant 0 : i32
    %dma_start3A_70 = arith.constant 0 : i32
    %dma_start3A_71 = tpu.memref_slice %arg3[%dma_start3A_69, %dma_start3A_70] : memref<100000x1024xf32, #tpu.memory_space<hbm>> -> memref<100000x1024xf32, #tpu.memory_space<hbm>>
    %dma_start3A_72 = tpu.memref_slice %arg7[%dma_start3A_63] : memref<8x!tpu.dma_semaphore, #tpu.memory_space<semaphore_mem>> -> memref<1x!tpu.dma_semaphore, #tpu.memory_space<semaphore_mem>>
    %dma_start3A_73 = tpu.memref_squeeze %dma_start3A_72 : memref<1x!tpu.dma_semaphore, #tpu.memory_space<semaphore_mem>> -> memref<!tpu.dma_semaphore, #tpu.memory_space<semaphore_mem>>
    tpu.enqueue_indirect_dma source(%dma_start3A_71 : memref<100000x1024xf32, #tpu.memory_space<hbm>>) target(%dma_start3A_67 : memref<8x1024xf32, #tpu.memory_space<vmem>>) offsets(%dma_start3A_68 : memref<8xi32, #tpu.memory_space<vmem>>) semaphore(%dma_start3A_73 : memref<!tpu.dma_semaphore, #tpu.memory_space<semaphore_mem>>)
    %multiple_of3A_74 = arith.constant 24 : i32
    %multiple_of3A_75 = tpu.assume_multiple %multiple_of3A_74, 8 : i32
    %dma_start3A_76 = arith.constant 3 : i32
    %dma_start3A_77 = arith.constant 3 : i32
    %dma_start3A_78 = arith.constant 0 : i32
    %dma_start3A_79 = arith.constant 0 : i32
    %dma_start3A_80 = tpu.memref_slice %arg6[%dma_start3A_76, %dma_start3A_78, %dma_start3A_79] : memref<8x8x1024xf32, #tpu.memory_space<vmem>> -> memref<1x8x1024xf32, #tpu.memory_space<vmem>>
    %dma_start3A_81 = tpu.memref_squeeze %dma_start3A_80 : memref<1x8x1024xf32, #tpu.memory_space<vmem>> -> memref<8x1024xf32, #tpu.memory_space<vmem>>
    %dma_start3A_82 = tpu.memref_slice %arg5[%multiple_of3A_75] : memref<512xi32, #tpu.memory_space<vmem>> -> memref<8xi32, #tpu.memory_space<vmem>>
    %dma_start3A_83 = arith.constant 0 : i32
    %dma_start3A_84 = arith.constant 0 : i32
    %dma_start3A_85 = tpu.memref_slice %arg3[%dma_start3A_83, %dma_start3A_84] : memref<100000x1024xf32, #tpu.memory_space<hbm>> -> memref<100000x1024xf32, #tpu.memory_space<hbm>>
    %dma_start3A_86 = tpu.memref_slice %arg7[%dma_start3A_77] : memref<8x!tpu.dma_semaphore, #tpu.memory_space<semaphore_mem>> -> memref<1x!tpu.dma_semaphore, #tpu.memory_space<semaphore_mem>>
    %dma_start3A_87 = tpu.memref_squeeze %dma_start3A_86 : memref<1x!tpu.dma_semaphore, #tpu.memory_space<semaphore_mem>> -> memref<!tpu.dma_semaphore, #tpu.memory_space<semaphore_mem>>
    tpu.enqueue_indirect_dma source(%dma_start3A_85 : memref<100000x1024xf32, #tpu.memory_space<hbm>>) target(%dma_start3A_81 : memref<8x1024xf32, #tpu.memory_space<vmem>>) offsets(%dma_start3A_82 : memref<8xi32, #tpu.memory_space<vmem>>) semaphore(%dma_start3A_87 : memref<!tpu.dma_semaphore, #tpu.memory_space<semaphore_mem>>)
    %multiple_of3A_88 = arith.constant 32 : i32
    %multiple_of3A_89 = tpu.assume_multiple %multiple_of3A_88, 8 : i32
    %dma_start3A_90 = arith.constant 4 : i32
    %dma_start3A_91 = arith.constant 4 : i32
    %dma_start3A_92 = arith.constant 0 : i32
    %dma_start3A_93 = arith.constant 0 : i32
    %dma_start3A_94 = tpu.memref_slice %arg6[%dma_start3A_90, %dma_start3A_92, %dma_start3A_93] : memref<8x8x1024xf32, #tpu.memory_space<vmem>> -> memref<1x8x1024xf32, #tpu.memory_space<vmem>>
    %dma_start3A_95 = tpu.memref_squeeze %dma_start3A_94 : memref<1x8x1024xf32, #tpu.memory_space<vmem>> -> memref<8x1024xf32, #tpu.memory_space<vmem>>
    %dma_start3A_96 = tpu.memref_slice %arg5[%multiple_of3A_89] : memref<512xi32, #tpu.memory_space<vmem>> -> memref<8xi32, #tpu.memory_space<vmem>>
    %dma_start3A_97 = arith.constant 0 : i32
    %dma_start3A_98 = arith.constant 0 : i32
    %dma_start3A_99 = tpu.memref_slice %arg3[%dma_start3A_97, %dma_start3A_98] : memref<100000x1024xf32, #tpu.memory_space<hbm>> -> memref<100000x1024xf32, #tpu.memory_space<hbm>>
    %dma_start3A_100 = tpu.memref_slice %arg7[%dma_start3A_91] : memref<8x!tpu.dma_semaphore, #tpu.memory_space<semaphore_mem>> -> memref<1x!tpu.dma_semaphore, #tpu.memory_space<semaphore_mem>>
    %dma_start3A_101 = tpu.memref_squeeze %dma_start3A_100 : memref<1x!tpu.dma_semaphore, #tpu.memory_space<semaphore_mem>> -> memref<!tpu.dma_semaphore, #tpu.memory_space<semaphore_mem>>
    tpu.enqueue_indirect_dma source(%dma_start3A_99 : memref<100000x1024xf32, #tpu.memory_space<hbm>>) target(%dma_start3A_95 : memref<8x1024xf32, #tpu.memory_space<vmem>>) offsets(%dma_start3A_96 : memref<8xi32, #tpu.memory_space<vmem>>) semaphore(%dma_start3A_101 : memref<!tpu.dma_semaphore, #tpu.memory_space<semaphore_mem>>)
    %multiple_of3A_102 = arith.constant 40 : i32
    %multiple_of3A_103 = tpu.assume_multiple %multiple_of3A_102, 8 : i32
    %dma_start3A_104 = arith.constant 5 : i32
    %dma_start3A_105 = arith.constant 5 : i32
    %dma_start3A_106 = arith.constant 0 : i32
    %dma_start3A_107 = arith.constant 0 : i32
    %dma_start3A_108 = tpu.memref_slice %arg6[%dma_start3A_104, %dma_start3A_106, %dma_start3A_107] : memref<8x8x1024xf32, #tpu.memory_space<vmem>> -> memref<1x8x1024xf32, #tpu.memory_space<vmem>>
    %dma_start3A_109 = tpu.memref_squeeze %dma_start3A_108 : memref<1x8x1024xf32, #tpu.memory_space<vmem>> -> memref<8x1024xf32, #tpu.memory_space<vmem>>
    %dma_start3A_110 = tpu.memref_slice %arg5[%multiple_of3A_103] : memref<512xi32, #tpu.memory_space<vmem>> -> memref<8xi32, #tpu.memory_space<vmem>>
    %dma_start3A_111 = arith.constant 0 : i32
    %dma_start3A_112 = arith.constant 0 : i32
    %dma_start3A_113 = tpu.memref_slice %arg3[%dma_start3A_111, %dma_start3A_112] : memref<100000x1024xf32, #tpu.memory_space<hbm>> -> memref<100000x1024xf32, #tpu.memory_space<hbm>>
    %dma_start3A_114 = tpu.memref_slice %arg7[%dma_start3A_105] : memref<8x!tpu.dma_semaphore, #tpu.memory_space<semaphore_mem>> -> memref<1x!tpu.dma_semaphore, #tpu.memory_space<semaphore_mem>>
    %dma_start3A_115 = tpu.memref_squeeze %dma_start3A_114 : memref<1x!tpu.dma_semaphore, #tpu.memory_space<semaphore_mem>> -> memref<!tpu.dma_semaphore, #tpu.memory_space<semaphore_mem>>
    tpu.enqueue_indirect_dma source(%dma_start3A_113 : memref<100000x1024xf32, #tpu.memory_space<hbm>>) target(%dma_start3A_109 : memref<8x1024xf32, #tpu.memory_space<vmem>>) offsets(%dma_start3A_110 : memref<8xi32, #tpu.memory_space<vmem>>) semaphore(%dma_start3A_115 : memref<!tpu.dma_semaphore, #tpu.memory_space<semaphore_mem>>)
    %multiple_of3A_116 = arith.constant 48 : i32
    %multiple_of3A_117 = tpu.assume_multiple %multiple_of3A_116, 8 : i32
    %dma_start3A_118 = arith.constant 6 : i32
    %dma_start3A_119 = arith.constant 6 : i32
    %dma_start3A_120 = arith.constant 0 : i32
    %dma_start3A_121 = arith.constant 0 : i32
    %dma_start3A_122 = tpu.memref_slice %arg6[%dma_start3A_118, %dma_start3A_120, %dma_start3A_121] : memref<8x8x1024xf32, #tpu.memory_space<vmem>> -> memref<1x8x1024xf32, #tpu.memory_space<vmem>>
    %dma_start3A_123 = tpu.memref_squeeze %dma_start3A_122 : memref<1x8x1024xf32, #tpu.memory_space<vmem>> -> memref<8x1024xf32, #tpu.memory_space<vmem>>
    %dma_start3A_124 = tpu.memref_slice %arg5[%multiple_of3A_117] : memref<512xi32, #tpu.memory_space<vmem>> -> memref<8xi32, #tpu.memory_space<vmem>>
    %dma_start3A_125 = arith.constant 0 : i32
    %dma_start3A_126 = arith.constant 0 : i32
    %dma_start3A_127 = tpu.memref_slice %arg3[%dma_start3A_125, %dma_start3A_126] : memref<100000x1024xf32, #tpu.memory_space<hbm>> -> memref<100000x1024xf32, #tpu.memory_space<hbm>>
    %dma_start3A_128 = tpu.memref_slice %arg7[%dma_start3A_119] : memref<8x!tpu.dma_semaphore, #tpu.memory_space<semaphore_mem>> -> memref<1x!tpu.dma_semaphore, #tpu.memory_space<semaphore_mem>>
    %dma_start3A_129 = tpu.memref_squeeze %dma_start3A_128 : memref<1x!tpu.dma_semaphore, #tpu.memory_space<semaphore_mem>> -> memref<!tpu.dma_semaphore, #tpu.memory_space<semaphore_mem>>
    tpu.enqueue_indirect_dma source(%dma_start3A_127 : memref<100000x1024xf32, #tpu.memory_space<hbm>>) target(%dma_start3A_123 : memref<8x1024xf32, #tpu.memory_space<vmem>>) offsets(%dma_start3A_124 : memref<8xi32, #tpu.memory_space<vmem>>) semaphore(%dma_start3A_129 : memref<!tpu.dma_semaphore, #tpu.memory_space<semaphore_mem>>)
    %multiple_of3A_130 = arith.constant 56 : i32
    %multiple_of3A_131 = tpu.assume_multiple %multiple_of3A_130, 8 : i32
    %dma_start3A_132 = arith.constant 7 : i32
    %dma_start3A_133 = arith.constant 7 : i32
    %dma_start3A_134 = arith.constant 0 : i32
    %dma_start3A_135 = arith.constant 0 : i32
    %dma_start3A_136 = tpu.memref_slice %arg6[%dma_start3A_132, %dma_start3A_134, %dma_start3A_135] : memref<8x8x1024xf32, #tpu.memory_space<vmem>> -> memref<1x8x1024xf32, #tpu.memory_space<vmem>>
    %dma_start3A_137 = tpu.memref_squeeze %dma_start3A_136 : memref<1x8x1024xf32, #tpu.memory_space<vmem>> -> memref<8x1024xf32, #tpu.memory_space<vmem>>
    %dma_start3A_138 = tpu.memref_slice %arg5[%multiple_of3A_131] : memref<512xi32, #tpu.memory_space<vmem>> -> memref<8xi32, #tpu.memory_space<vmem>>
    %dma_start3A_139 = arith.constant 0 : i32
    %dma_start3A_140 = arith.constant 0 : i32
    %dma_start3A_141 = tpu.memref_slice %arg3[%dma_start3A_139, %dma_start3A_140] : memref<100000x1024xf32, #tpu.memory_space<hbm>> -> memref<100000x1024xf32, #tpu.memory_space<hbm>>
    %dma_start3A_142 = tpu.memref_slice %arg7[%dma_start3A_133] : memref<8x!tpu.dma_semaphore, #tpu.memory_space<semaphore_mem>> -> memref<1x!tpu.dma_semaphore, #tpu.memory_space<semaphore_mem>>
    %dma_start3A_143 = tpu.memref_squeeze %dma_start3A_142 : memref<1x!tpu.dma_semaphore, #tpu.memory_space<semaphore_mem>> -> memref<!tpu.dma_semaphore, #tpu.memory_space<semaphore_mem>>
    tpu.enqueue_indirect_dma source(%dma_start3A_141 : memref<100000x1024xf32, #tpu.memory_space<hbm>>) target(%dma_start3A_137 : memref<8x1024xf32, #tpu.memory_space<vmem>>) offsets(%dma_start3A_138 : memref<8xi32, #tpu.memory_space<vmem>>) semaphore(%dma_start3A_143 : memref<!tpu.dma_semaphore, #tpu.memory_space<semaphore_mem>>)
    %scan3A = arith.constant 0 : i32
    %scan3A_144 = arith.constant 7 : i32
    %scan3A_145 = arith.addi %scan3A, %scan3A_144 : i32
    %scan3A_146 = arith.constant 1 : i32
    scf.for %scan3A_563 = %scan3A to %scan3A_145 step %scan3A_146  : i32 {
      %mul3A_564 = arith.constant 8 : i32
      %mul3A_565 = arith.muli %scan3A_563, %mul3A_564 : i32
      %add3A_566 = arith.constant 0 : i32
      %add3A_567 = arith.addi %mul3A_565, %add3A_566 : i32
      %dma_wait3A_568 = arith.constant 0 : i32
      %dma_wait3A_569 = arith.constant 0 : i32
      %dma_wait3A_570 = arith.constant 0 : i32
      %dma_wait3A_571 = arith.constant 0 : i32
      %dma_wait3A_572 = tpu.memref_slice %arg6[%dma_wait3A_568, %dma_wait3A_570, %dma_wait3A_571] : memref<8x8x1024xf32, #tpu.memory_space<vmem>> -> memref<1x8x1024xf32, #tpu.memory_space<vmem>>
      %dma_wait3A_573 = tpu.memref_squeeze %dma_wait3A_572 : memref<1x8x1024xf32, #tpu.memory_space<vmem>> -> memref<8x1024xf32, #tpu.memory_space<vmem>>
      %dma_wait3A_574 = arith.constant 0 : i32
      %dma_wait3A_575 = tpu.memref_slice %arg5[%dma_wait3A_574] : memref<512xi32, #tpu.memory_space<vmem>> -> memref<8xi32, #tpu.memory_space<vmem>>
      %dma_wait3A_576 = arith.constant 0 : i32
      %dma_wait3A_577 = arith.constant 0 : i32
      %dma_wait3A_578 = tpu.memref_slice %arg3[%dma_wait3A_576, %dma_wait3A_577] : memref<100000x1024xf32, #tpu.memory_space<hbm>> -> memref<100000x1024xf32, #tpu.memory_space<hbm>>
      %dma_wait3A_579 = tpu.memref_slice %arg7[%dma_wait3A_569] : memref<8x!tpu.dma_semaphore, #tpu.memory_space<semaphore_mem>> -> memref<1x!tpu.dma_semaphore, #tpu.memory_space<semaphore_mem>>
      %dma_wait3A_580 = tpu.memref_squeeze %dma_wait3A_579 : memref<1x!tpu.dma_semaphore, #tpu.memory_space<semaphore_mem>> -> memref<!tpu.dma_semaphore, #tpu.memory_space<semaphore_mem>>
      tpu.wait_indirect_dma semaphore(%dma_wait3A_580 : memref<!tpu.dma_semaphore, #tpu.memory_space<semaphore_mem>>) src(%dma_wait3A_578 : memref<100000x1024xf32, #tpu.memory_space<hbm>>) dst(%dma_wait3A_573 : memref<8x1024xf32, #tpu.memory_space<vmem>>)
      %mul3A_581 = arith.constant 8 : i32
      %mul3A_582 = arith.muli %add3A_567, %mul3A_581 : i32
      %add3A_583 = arith.addi %multiple_of3A, %mul3A_582 : i32
      %multiple_of3A_584 = tpu.assume_multiple %add3A_583, 8 : i32
      %dma_start3A_585 = arith.constant 0 : i32
      %dma_start3A_586 = arith.constant 0 : i32
      %dma_start3A_587 = arith.constant 0 : i32
      %dma_start3A_588 = arith.constant 0 : i32
      %dma_start3A_589 = tpu.memref_slice %arg6[%dma_start3A_585, %dma_start3A_587, %dma_start3A_588] : memref<8x8x1024xf32, #tpu.memory_space<vmem>> -> memref<1x8x1024xf32, #tpu.memory_space<vmem>>
      %dma_start3A_590 = tpu.memref_squeeze %dma_start3A_589 : memref<1x8x1024xf32, #tpu.memory_space<vmem>> -> memref<8x1024xf32, #tpu.memory_space<vmem>>
      %dma_start3A_591 = arith.constant 0 : i32
      %dma_start3A_592 = tpu.memref_slice %arg4[%select_n3A, %multiple_of3A_584, %dma_start3A_591] : memref<4x4096x1024xf32, #tpu.memory_space<hbm>> -> memref<1x8x1024xf32, #tpu.memory_space<hbm>>
      %dma_start3A_593 = tpu.memref_squeeze %dma_start3A_592 : memref<1x8x1024xf32, #tpu.memory_space<hbm>> -> memref<8x1024xf32, #tpu.memory_space<hbm>>
      %dma_start3A_594 = tpu.memref_slice %arg8[%dma_start3A_586] : memref<8x!tpu.dma_semaphore, #tpu.memory_space<semaphore_mem>> -> memref<1x!tpu.dma_semaphore, #tpu.memory_space<semaphore_mem>>
      %dma_start3A_595 = tpu.memref_squeeze %dma_start3A_594 : memref<1x!tpu.dma_semaphore, #tpu.memory_space<semaphore_mem>> -> memref<!tpu.dma_semaphore, #tpu.memory_space<semaphore_mem>>
      %dma_start3A_596 = arith.constant 0 : i32
      %dma_start3A_597 = tpu.memref_slice %arg4[%select_n3A, %multiple_of3A_584, %dma_start3A_596] : memref<4x4096x1024xf32, #tpu.memory_space<hbm>> -> memref<1x8x1024xf32, #tpu.memory_space<hbm>>
      %dma_start3A_598 = tpu.memref_squeeze %dma_start3A_597 : memref<1x8x1024xf32, #tpu.memory_space<hbm>> -> memref<8x1024xf32, #tpu.memory_space<hbm>>
      %dma_start3A_599 = arith.constant 0 : i32
      %dma_start3A_600 = arith.constant 0 : i32
      %dma_start3A_601 = tpu.memref_slice %arg6[%dma_start3A_585, %dma_start3A_599, %dma_start3A_600] : memref<8x8x1024xf32, #tpu.memory_space<vmem>> -> memref<1x8x1024xf32, #tpu.memory_space<vmem>>
      %dma_start3A_602 = tpu.memref_squeeze %dma_start3A_601 : memref<1x8x1024xf32, #tpu.memory_space<vmem>> -> memref<8x1024xf32, #tpu.memory_space<vmem>>
      tpu.enqueue_dma source(%dma_start3A_602 : memref<8x1024xf32, #tpu.memory_space<vmem>>) target(%dma_start3A_598 : memref<8x1024xf32, #tpu.memory_space<hbm>>) target_semaphore(%dma_start3A_595 : memref<!tpu.dma_semaphore, #tpu.memory_space<semaphore_mem>>)
      %dma_wait3A_603 = arith.constant 0 : i32
      %dma_wait3A_604 = arith.constant 0 : i32
      %dma_wait3A_605 = arith.constant 0 : i32
      %dma_wait3A_606 = arith.constant 0 : i32
      %dma_wait3A_607 = tpu.memref_slice %arg6[%dma_wait3A_603, %dma_wait3A_605, %dma_wait3A_606] : memref<8x8x1024xf32, #tpu.memory_space<vmem>> -> memref<1x8x1024xf32, #tpu.memory_space<vmem>>
      %dma_wait3A_608 = tpu.memref_squeeze %dma_wait3A_607 : memref<1x8x1024xf32, #tpu.memory_space<vmem>> -> memref<8x1024xf32, #tpu.memory_space<vmem>>
      %dma_wait3A_609 = arith.constant 0 : i32
      %dma_wait3A_610 = tpu.memref_slice %arg4[%select_n3A, %multiple_of3A, %dma_wait3A_609] : memref<4x4096x1024xf32, #tpu.memory_space<hbm>> -> memref<1x8x1024xf32, #tpu.memory_space<hbm>>
      %dma_wait3A_611 = tpu.memref_squeeze %dma_wait3A_610 : memref<1x8x1024xf32, #tpu.memory_space<hbm>> -> memref<8x1024xf32, #tpu.memory_space<hbm>>
      %dma_wait3A_612 = tpu.memref_slice %arg8[%dma_wait3A_604] : memref<8x!tpu.dma_semaphore, #tpu.memory_space<semaphore_mem>> -> memref<1x!tpu.dma_semaphore, #tpu.memory_space<semaphore_mem>>
      %dma_wait3A_613 = tpu.memref_squeeze %dma_wait3A_612 : memref<1x!tpu.dma_semaphore, #tpu.memory_space<semaphore_mem>> -> memref<!tpu.dma_semaphore, #tpu.memory_space<semaphore_mem>>
      %dma_wait3A_614 = arith.constant 0 : i32
      %dma_wait3A_615 = tpu.memref_slice %arg4[%select_n3A, %multiple_of3A, %dma_wait3A_614] : memref<4x4096x1024xf32, #tpu.memory_space<hbm>> -> memref<1x8x1024xf32, #tpu.memory_space<hbm>>
      %dma_wait3A_616 = tpu.memref_squeeze %dma_wait3A_615 : memref<1x8x1024xf32, #tpu.memory_space<hbm>> -> memref<8x1024xf32, #tpu.memory_space<hbm>>
      %dma_wait3A_617 = arith.constant 0 : i32
      %dma_wait3A_618 = arith.constant 0 : i32
      %dma_wait3A_619 = tpu.memref_slice %arg6[%dma_wait3A_603, %dma_wait3A_617, %dma_wait3A_618] : memref<8x8x1024xf32, #tpu.memory_space<vmem>> -> memref<1x8x1024xf32, #tpu.memory_space<vmem>>
      %dma_wait3A_620 = tpu.memref_squeeze %dma_wait3A_619 : memref<1x8x1024xf32, #tpu.memory_space<vmem>> -> memref<8x1024xf32, #tpu.memory_space<vmem>>
      tpu.wait_dma2 semaphore(%dma_wait3A_613 : memref<!tpu.dma_semaphore, #tpu.memory_space<semaphore_mem>>) src(%dma_wait3A_620 : memref<8x1024xf32, #tpu.memory_space<vmem>>) dst(%dma_wait3A_616 : memref<8x1024xf32, #tpu.memory_space<hbm>>)
      %add3A_621 = arith.constant 8 : i32
      %add3A_622 = arith.addi %add3A_567, %add3A_621 : i32
      %mul3A_623 = arith.constant 8 : i32
      %mul3A_624 = arith.muli %add3A_622, %mul3A_623 : i32
      %multiple_of3A_625 = tpu.assume_multiple %mul3A_624, 8 : i32
      %dma_start3A_626 = arith.constant 0 : i32
      %dma_start3A_627 = arith.constant 0 : i32
      %dma_start3A_628 = arith.constant 0 : i32
      %dma_start3A_629 = arith.constant 0 : i32
      %dma_start3A_630 = tpu.memref_slice %arg6[%dma_start3A_626, %dma_start3A_628, %dma_start3A_629] : memref<8x8x1024xf32, #tpu.memory_space<vmem>> -> memref<1x8x1024xf32, #tpu.memory_space<vmem>>
      %dma_start3A_631 = tpu.memref_squeeze %dma_start3A_630 : memref<1x8x1024xf32, #tpu.memory_space<vmem>> -> memref<8x1024xf32, #tpu.memory_space<vmem>>
      %dma_start3A_632 = tpu.memref_slice %arg5[%multiple_of3A_625] : memref<512xi32, #tpu.memory_space<vmem>> -> memref<8xi32, #tpu.memory_space<vmem>>
      %dma_start3A_633 = arith.constant 0 : i32
      %dma_start3A_634 = arith.constant 0 : i32
      %dma_start3A_635 = tpu.memref_slice %arg3[%dma_start3A_633, %dma_start3A_634] : memref<100000x1024xf32, #tpu.memory_space<hbm>> -> memref<100000x1024xf32, #tpu.memory_space<hbm>>
      %dma_start3A_636 = tpu.memref_slice %arg7[%dma_start3A_627] : memref<8x!tpu.dma_semaphore, #tpu.memory_space<semaphore_mem>> -> memref<1x!tpu.dma_semaphore, #tpu.memory_space<semaphore_mem>>
      %dma_start3A_637 = tpu.memref_squeeze %dma_start3A_636 : memref<1x!tpu.dma_semaphore, #tpu.memory_space<semaphore_mem>> -> memref<!tpu.dma_semaphore, #tpu.memory_space<semaphore_mem>>
      tpu.enqueue_indirect_dma source(%dma_start3A_635 : memref<100000x1024xf32, #tpu.memory_space<hbm>>) target(%dma_start3A_631 : memref<8x1024xf32, #tpu.memory_space<vmem>>) offsets(%dma_start3A_632 : memref<8xi32, #tpu.memory_space<vmem>>) semaphore(%dma_start3A_637 : memref<!tpu.dma_semaphore, #tpu.memory_space<semaphore_mem>>)
      %mul3A_638 = arith.constant 8 : i32
      %mul3A_639 = arith.muli %scan3A_563, %mul3A_638 : i32
      %add3A_640 = arith.constant 1 : i32
      %add3A_641 = arith.addi %mul3A_639, %add3A_640 : i32
      %dma_wait3A_642 = arith.constant 1 : i32
      %dma_wait3A_643 = arith.constant 1 : i32
      %dma_wait3A_644 = arith.constant 0 : i32
      %dma_wait3A_645 = arith.constant 0 : i32
      %dma_wait3A_646 = tpu.memref_slice %arg6[%dma_wait3A_642, %dma_wait3A_644, %dma_wait3A_645] : memref<8x8x1024xf32, #tpu.memory_space<vmem>> -> memref<1x8x1024xf32, #tpu.memory_space<vmem>>
      %dma_wait3A_647 = tpu.memref_squeeze %dma_wait3A_646 : memref<1x8x1024xf32, #tpu.memory_space<vmem>> -> memref<8x1024xf32, #tpu.memory_space<vmem>>
      %dma_wait3A_648 = arith.constant 0 : i32
      %dma_wait3A_649 = tpu.memref_slice %arg5[%dma_wait3A_648] : memref<512xi32, #tpu.memory_space<vmem>> -> memref<8xi32, #tpu.memory_space<vmem>>
      %dma_wait3A_650 = arith.constant 0 : i32
      %dma_wait3A_651 = arith.constant 0 : i32
      %dma_wait3A_652 = tpu.memref_slice %arg3[%dma_wait3A_650, %dma_wait3A_651] : memref<100000x1024xf32, #tpu.memory_space<hbm>> -> memref<100000x1024xf32, #tpu.memory_space<hbm>>
      %dma_wait3A_653 = tpu.memref_slice %arg7[%dma_wait3A_643] : memref<8x!tpu.dma_semaphore, #tpu.memory_space<semaphore_mem>> -> memref<1x!tpu.dma_semaphore, #tpu.memory_space<semaphore_mem>>
      %dma_wait3A_654 = tpu.memref_squeeze %dma_wait3A_653 : memref<1x!tpu.dma_semaphore, #tpu.memory_space<semaphore_mem>> -> memref<!tpu.dma_semaphore, #tpu.memory_space<semaphore_mem>>
      tpu.wait_indirect_dma semaphore(%dma_wait3A_654 : memref<!tpu.dma_semaphore, #tpu.memory_space<semaphore_mem>>) src(%dma_wait3A_652 : memref<100000x1024xf32, #tpu.memory_space<hbm>>) dst(%dma_wait3A_647 : memref<8x1024xf32, #tpu.memory_space<vmem>>)
      %mul3A_655 = arith.constant 8 : i32
      %mul3A_656 = arith.muli %add3A_641, %mul3A_655 : i32
      %add3A_657 = arith.addi %multiple_of3A, %mul3A_656 : i32
      %multiple_of3A_658 = tpu.assume_multiple %add3A_657, 8 : i32
      %dma_start3A_659 = arith.constant 1 : i32
      %dma_start3A_660 = arith.constant 1 : i32
      %dma_start3A_661 = arith.constant 0 : i32
      %dma_start3A_662 = arith.constant 0 : i32
      %dma_start3A_663 = tpu.memref_slice %arg6[%dma_start3A_659, %dma_start3A_661, %dma_start3A_662] : memref<8x8x1024xf32, #tpu.memory_space<vmem>> -> memref<1x8x1024xf32, #tpu.memory_space<vmem>>
      %dma_start3A_664 = tpu.memref_squeeze %dma_start3A_663 : memref<1x8x1024xf32, #tpu.memory_space<vmem>> -> memref<8x1024xf32, #tpu.memory_space<vmem>>
      %dma_start3A_665 = arith.constant 0 : i32
      %dma_start3A_666 = tpu.memref_slice %arg4[%select_n3A, %multiple_of3A_658, %dma_start3A_665] : memref<4x4096x1024xf32, #tpu.memory_space<hbm>> -> memref<1x8x1024xf32, #tpu.memory_space<hbm>>
      %dma_start3A_667 = tpu.memref_squeeze %dma_start3A_666 : memref<1x8x1024xf32, #tpu.memory_space<hbm>> -> memref<8x1024xf32, #tpu.memory_space<hbm>>
      %dma_start3A_668 = tpu.memref_slice %arg8[%dma_start3A_660] : memref<8x!tpu.dma_semaphore, #tpu.memory_space<semaphore_mem>> -> memref<1x!tpu.dma_semaphore, #tpu.memory_space<semaphore_mem>>
      %dma_start3A_669 = tpu.memref_squeeze %dma_start3A_668 : memref<1x!tpu.dma_semaphore, #tpu.memory_space<semaphore_mem>> -> memref<!tpu.dma_semaphore, #tpu.memory_space<semaphore_mem>>
      %dma_start3A_670 = arith.constant 0 : i32
      %dma_start3A_671 = tpu.memref_slice %arg4[%select_n3A, %multiple_of3A_658, %dma_start3A_670] : memref<4x4096x1024xf32, #tpu.memory_space<hbm>> -> memref<1x8x1024xf32, #tpu.memory_space<hbm>>
      %dma_start3A_672 = tpu.memref_squeeze %dma_start3A_671 : memref<1x8x1024xf32, #tpu.memory_space<hbm>> -> memref<8x1024xf32, #tpu.memory_space<hbm>>
      %dma_start3A_673 = arith.constant 0 : i32
      %dma_start3A_674 = arith.constant 0 : i32
      %dma_start3A_675 = tpu.memref_slice %arg6[%dma_start3A_659, %dma_start3A_673, %dma_start3A_674] : memref<8x8x1024xf32, #tpu.memory_space<vmem>> -> memref<1x8x1024xf32, #tpu.memory_space<vmem>>
      %dma_start3A_676 = tpu.memref_squeeze %dma_start3A_675 : memref<1x8x1024xf32, #tpu.memory_space<vmem>> -> memref<8x1024xf32, #tpu.memory_space<vmem>>
      tpu.enqueue_dma source(%dma_start3A_676 : memref<8x1024xf32, #tpu.memory_space<vmem>>) target(%dma_start3A_672 : memref<8x1024xf32, #tpu.memory_space<hbm>>) target_semaphore(%dma_start3A_669 : memref<!tpu.dma_semaphore, #tpu.memory_space<semaphore_mem>>)
      %dma_wait3A_677 = arith.constant 1 : i32
      %dma_wait3A_678 = arith.constant 1 : i32
      %dma_wait3A_679 = arith.constant 0 : i32
      %dma_wait3A_680 = arith.constant 0 : i32
      %dma_wait3A_681 = tpu.memref_slice %arg6[%dma_wait3A_677, %dma_wait3A_679, %dma_wait3A_680] : memref<8x8x1024xf32, #tpu.memory_space<vmem>> -> memref<1x8x1024xf32, #tpu.memory_space<vmem>>
      %dma_wait3A_682 = tpu.memref_squeeze %dma_wait3A_681 : memref<1x8x1024xf32, #tpu.memory_space<vmem>> -> memref<8x1024xf32, #tpu.memory_space<vmem>>
      %dma_wait3A_683 = arith.constant 0 : i32
      %dma_wait3A_684 = tpu.memref_slice %arg4[%select_n3A, %multiple_of3A, %dma_wait3A_683] : memref<4x4096x1024xf32, #tpu.memory_space<hbm>> -> memref<1x8x1024xf32, #tpu.memory_space<hbm>>
      %dma_wait3A_685 = tpu.memref_squeeze %dma_wait3A_684 : memref<1x8x1024xf32, #tpu.memory_space<hbm>> -> memref<8x1024xf32, #tpu.memory_space<hbm>>
      %dma_wait3A_686 = tpu.memref_slice %arg8[%dma_wait3A_678] : memref<8x!tpu.dma_semaphore, #tpu.memory_space<semaphore_mem>> -> memref<1x!tpu.dma_semaphore, #tpu.memory_space<semaphore_mem>>
      %dma_wait3A_687 = tpu.memref_squeeze %dma_wait3A_686 : memref<1x!tpu.dma_semaphore, #tpu.memory_space<semaphore_mem>> -> memref<!tpu.dma_semaphore, #tpu.memory_space<semaphore_mem>>
      %dma_wait3A_688 = arith.constant 0 : i32
      %dma_wait3A_689 = tpu.memref_slice %arg4[%select_n3A, %multiple_of3A, %dma_wait3A_688] : memref<4x4096x1024xf32, #tpu.memory_space<hbm>> -> memref<1x8x1024xf32, #tpu.memory_space<hbm>>
      %dma_wait3A_690 = tpu.memref_squeeze %dma_wait3A_689 : memref<1x8x1024xf32, #tpu.memory_space<hbm>> -> memref<8x1024xf32, #tpu.memory_space<hbm>>
      %dma_wait3A_691 = arith.constant 0 : i32
      %dma_wait3A_692 = arith.constant 0 : i32
      %dma_wait3A_693 = tpu.memref_slice %arg6[%dma_wait3A_677, %dma_wait3A_691, %dma_wait3A_692] : memref<8x8x1024xf32, #tpu.memory_space<vmem>> -> memref<1x8x1024xf32, #tpu.memory_space<vmem>>
      %dma_wait3A_694 = tpu.memref_squeeze %dma_wait3A_693 : memref<1x8x1024xf32, #tpu.memory_space<vmem>> -> memref<8x1024xf32, #tpu.memory_space<vmem>>
      tpu.wait_dma2 semaphore(%dma_wait3A_687 : memref<!tpu.dma_semaphore, #tpu.memory_space<semaphore_mem>>) src(%dma_wait3A_694 : memref<8x1024xf32, #tpu.memory_space<vmem>>) dst(%dma_wait3A_690 : memref<8x1024xf32, #tpu.memory_space<hbm>>)
      %add3A_695 = arith.constant 8 : i32
      %add3A_696 = arith.addi %add3A_641, %add3A_695 : i32
      %mul3A_697 = arith.constant 8 : i32
      %mul3A_698 = arith.muli %add3A_696, %mul3A_697 : i32
      %multiple_of3A_699 = tpu.assume_multiple %mul3A_698, 8 : i32
      %dma_start3A_700 = arith.constant 1 : i32
      %dma_start3A_701 = arith.constant 1 : i32
      %dma_start3A_702 = arith.constant 0 : i32
      %dma_start3A_703 = arith.constant 0 : i32
      %dma_start3A_704 = tpu.memref_slice %arg6[%dma_start3A_700, %dma_start3A_702, %dma_start3A_703] : memref<8x8x1024xf32, #tpu.memory_space<vmem>> -> memref<1x8x1024xf32, #tpu.memory_space<vmem>>
      %dma_start3A_705 = tpu.memref_squeeze %dma_start3A_704 : memref<1x8x1024xf32, #tpu.memory_space<vmem>> -> memref<8x1024xf32, #tpu.memory_space<vmem>>
      %dma_start3A_706 = tpu.memref_slice %arg5[%multiple_of3A_699] : memref<512xi32, #tpu.memory_space<vmem>> -> memref<8xi32, #tpu.memory_space<vmem>>
      %dma_start3A_707 = arith.constant 0 : i32
      %dma_start3A_708 = arith.constant 0 : i32
      %dma_start3A_709 = tpu.memref_slice %arg3[%dma_start3A_707, %dma_start3A_708] : memref<100000x1024xf32, #tpu.memory_space<hbm>> -> memref<100000x1024xf32, #tpu.memory_space<hbm>>
      %dma_start3A_710 = tpu.memref_slice %arg7[%dma_start3A_701] : memref<8x!tpu.dma_semaphore, #tpu.memory_space<semaphore_mem>> -> memref<1x!tpu.dma_semaphore, #tpu.memory_space<semaphore_mem>>
      %dma_start3A_711 = tpu.memref_squeeze %dma_start3A_710 : memref<1x!tpu.dma_semaphore, #tpu.memory_space<semaphore_mem>> -> memref<!tpu.dma_semaphore, #tpu.memory_space<semaphore_mem>>
      tpu.enqueue_indirect_dma source(%dma_start3A_709 : memref<100000x1024xf32, #tpu.memory_space<hbm>>) target(%dma_start3A_705 : memref<8x1024xf32, #tpu.memory_space<vmem>>) offsets(%dma_start3A_706 : memref<8xi32, #tpu.memory_space<vmem>>) semaphore(%dma_start3A_711 : memref<!tpu.dma_semaphore, #tpu.memory_space<semaphore_mem>>)
      %mul3A_712 = arith.constant 8 : i32
      %mul3A_713 = arith.muli %scan3A_563, %mul3A_712 : i32
      %add3A_714 = arith.constant 2 : i32
      %add3A_715 = arith.addi %mul3A_713, %add3A_714 : i32
      %dma_wait3A_716 = arith.constant 2 : i32
      %dma_wait3A_717 = arith.constant 2 : i32
      %dma_wait3A_718 = arith.constant 0 : i32
      %dma_wait3A_719 = arith.constant 0 : i32
      %dma_wait3A_720 = tpu.memref_slice %arg6[%dma_wait3A_716, %dma_wait3A_718, %dma_wait3A_719] : memref<8x8x1024xf32, #tpu.memory_space<vmem>> -> memref<1x8x1024xf32, #tpu.memory_space<vmem>>
      %dma_wait3A_721 = tpu.memref_squeeze %dma_wait3A_720 : memref<1x8x1024xf32, #tpu.memory_space<vmem>> -> memref<8x1024xf32, #tpu.memory_space<vmem>>
      %dma_wait3A_722 = arith.constant 0 : i32
      %dma_wait3A_723 = tpu.memref_slice %arg5[%dma_wait3A_722] : memref<512xi32, #tpu.memory_space<vmem>> -> memref<8xi32, #tpu.memory_space<vmem>>
      %dma_wait3A_724 = arith.constant 0 : i32
      %dma_wait3A_725 = arith.constant 0 : i32
      %dma_wait3A_726 = tpu.memref_slice %arg3[%dma_wait3A_724, %dma_wait3A_725] : memref<100000x1024xf32, #tpu.memory_space<hbm>> -> memref<100000x1024xf32, #tpu.memory_space<hbm>>
      %dma_wait3A_727 = tpu.memref_slice %arg7[%dma_wait3A_717] : memref<8x!tpu.dma_semaphore, #tpu.memory_space<semaphore_mem>> -> memref<1x!tpu.dma_semaphore, #tpu.memory_space<semaphore_mem>>
      %dma_wait3A_728 = tpu.memref_squeeze %dma_wait3A_727 : memref<1x!tpu.dma_semaphore, #tpu.memory_space<semaphore_mem>> -> memref<!tpu.dma_semaphore, #tpu.memory_space<semaphore_mem>>
      tpu.wait_indirect_dma semaphore(%dma_wait3A_728 : memref<!tpu.dma_semaphore, #tpu.memory_space<semaphore_mem>>) src(%dma_wait3A_726 : memref<100000x1024xf32, #tpu.memory_space<hbm>>) dst(%dma_wait3A_721 : memref<8x1024xf32, #tpu.memory_space<vmem>>)
      %mul3A_729 = arith.constant 8 : i32
      %mul3A_730 = arith.muli %add3A_715, %mul3A_729 : i32
      %add3A_731 = arith.addi %multiple_of3A, %mul3A_730 : i32
      %multiple_of3A_732 = tpu.assume_multiple %add3A_731, 8 : i32
      %dma_start3A_733 = arith.constant 2 : i32
      %dma_start3A_734 = arith.constant 2 : i32
      %dma_start3A_735 = arith.constant 0 : i32
      %dma_start3A_736 = arith.constant 0 : i32
      %dma_start3A_737 = tpu.memref_slice %arg6[%dma_start3A_733, %dma_start3A_735, %dma_start3A_736] : memref<8x8x1024xf32, #tpu.memory_space<vmem>> -> memref<1x8x1024xf32, #tpu.memory_space<vmem>>
      %dma_start3A_738 = tpu.memref_squeeze %dma_start3A_737 : memref<1x8x1024xf32, #tpu.memory_space<vmem>> -> memref<8x1024xf32, #tpu.memory_space<vmem>>
      %dma_start3A_739 = arith.constant 0 : i32
      %dma_start3A_740 = tpu.memref_slice %arg4[%select_n3A, %multiple_of3A_732, %dma_start3A_739] : memref<4x4096x1024xf32, #tpu.memory_space<hbm>> -> memref<1x8x1024xf32, #tpu.memory_space<hbm>>
      %dma_start3A_741 = tpu.memref_squeeze %dma_start3A_740 : memref<1x8x1024xf32, #tpu.memory_space<hbm>> -> memref<8x1024xf32, #tpu.memory_space<hbm>>
      %dma_start3A_742 = tpu.memref_slice %arg8[%dma_start3A_734] : memref<8x!tpu.dma_semaphore, #tpu.memory_space<semaphore_mem>> -> memref<1x!tpu.dma_semaphore, #tpu.memory_space<semaphore_mem>>
      %dma_start3A_743 = tpu.memref_squeeze %dma_start3A_742 : memref<1x!tpu.dma_semaphore, #tpu.memory_space<semaphore_mem>> -> memref<!tpu.dma_semaphore, #tpu.memory_space<semaphore_mem>>
      %dma_start3A_744 = arith.constant 0 : i32
      %dma_start3A_745 = tpu.memref_slice %arg4[%select_n3A, %multiple_of3A_732, %dma_start3A_744] : memref<4x4096x1024xf32, #tpu.memory_space<hbm>> -> memref<1x8x1024xf32, #tpu.memory_space<hbm>>
      %dma_start3A_746 = tpu.memref_squeeze %dma_start3A_745 : memref<1x8x1024xf32, #tpu.memory_space<hbm>> -> memref<8x1024xf32, #tpu.memory_space<hbm>>
      %dma_start3A_747 = arith.constant 0 : i32
      %dma_start3A_748 = arith.constant 0 : i32
      %dma_start3A_749 = tpu.memref_slice %arg6[%dma_start3A_733, %dma_start3A_747, %dma_start3A_748] : memref<8x8x1024xf32, #tpu.memory_space<vmem>> -> memref<1x8x1024xf32, #tpu.memory_space<vmem>>
      %dma_start3A_750 = tpu.memref_squeeze %dma_start3A_749 : memref<1x8x1024xf32, #tpu.memory_space<vmem>> -> memref<8x1024xf32, #tpu.memory_space<vmem>>
      tpu.enqueue_dma source(%dma_start3A_750 : memref<8x1024xf32, #tpu.memory_space<vmem>>) target(%dma_start3A_746 : memref<8x1024xf32, #tpu.memory_space<hbm>>) target_semaphore(%dma_start3A_743 : memref<!tpu.dma_semaphore, #tpu.memory_space<semaphore_mem>>)
      %dma_wait3A_751 = arith.constant 2 : i32
      %dma_wait3A_752 = arith.constant 2 : i32
      %dma_wait3A_753 = arith.constant 0 : i32
      %dma_wait3A_754 = arith.constant 0 : i32
      %dma_wait3A_755 = tpu.memref_slice %arg6[%dma_wait3A_751, %dma_wait3A_753, %dma_wait3A_754] : memref<8x8x1024xf32, #tpu.memory_space<vmem>> -> memref<1x8x1024xf32, #tpu.memory_space<vmem>>
      %dma_wait3A_756 = tpu.memref_squeeze %dma_wait3A_755 : memref<1x8x1024xf32, #tpu.memory_space<vmem>> -> memref<8x1024xf32, #tpu.memory_space<vmem>>
      %dma_wait3A_757 = arith.constant 0 : i32
      %dma_wait3A_758 = tpu.memref_slice %arg4[%select_n3A, %multiple_of3A, %dma_wait3A_757] : memref<4x4096x1024xf32, #tpu.memory_space<hbm>> -> memref<1x8x1024xf32, #tpu.memory_space<hbm>>
      %dma_wait3A_759 = tpu.memref_squeeze %dma_wait3A_758 : memref<1x8x1024xf32, #tpu.memory_space<hbm>> -> memref<8x1024xf32, #tpu.memory_space<hbm>>
      %dma_wait3A_760 = tpu.memref_slice %arg8[%dma_wait3A_752] : memref<8x!tpu.dma_semaphore, #tpu.memory_space<semaphore_mem>> -> memref<1x!tpu.dma_semaphore, #tpu.memory_space<semaphore_mem>>
      %dma_wait3A_761 = tpu.memref_squeeze %dma_wait3A_760 : memref<1x!tpu.dma_semaphore, #tpu.memory_space<semaphore_mem>> -> memref<!tpu.dma_semaphore, #tpu.memory_space<semaphore_mem>>
      %dma_wait3A_762 = arith.constant 0 : i32
      %dma_wait3A_763 = tpu.memref_slice %arg4[%select_n3A, %multiple_of3A, %dma_wait3A_762] : memref<4x4096x1024xf32, #tpu.memory_space<hbm>> -> memref<1x8x1024xf32, #tpu.memory_space<hbm>>
      %dma_wait3A_764 = tpu.memref_squeeze %dma_wait3A_763 : memref<1x8x1024xf32, #tpu.memory_space<hbm>> -> memref<8x1024xf32, #tpu.memory_space<hbm>>
      %dma_wait3A_765 = arith.constant 0 : i32
      %dma_wait3A_766 = arith.constant 0 : i32
      %dma_wait3A_767 = tpu.memref_slice %arg6[%dma_wait3A_751, %dma_wait3A_765, %dma_wait3A_766] : memref<8x8x1024xf32, #tpu.memory_space<vmem>> -> memref<1x8x1024xf32, #tpu.memory_space<vmem>>
      %dma_wait3A_768 = tpu.memref_squeeze %dma_wait3A_767 : memref<1x8x1024xf32, #tpu.memory_space<vmem>> -> memref<8x1024xf32, #tpu.memory_space<vmem>>
      tpu.wait_dma2 semaphore(%dma_wait3A_761 : memref<!tpu.dma_semaphore, #tpu.memory_space<semaphore_mem>>) src(%dma_wait3A_768 : memref<8x1024xf32, #tpu.memory_space<vmem>>) dst(%dma_wait3A_764 : memref<8x1024xf32, #tpu.memory_space<hbm>>)
      %add3A_769 = arith.constant 8 : i32
      %add3A_770 = arith.addi %add3A_715, %add3A_769 : i32
      %mul3A_771 = arith.constant 8 : i32
      %mul3A_772 = arith.muli %add3A_770, %mul3A_771 : i32
      %multiple_of3A_773 = tpu.assume_multiple %mul3A_772, 8 : i32
      %dma_start3A_774 = arith.constant 2 : i32
      %dma_start3A_775 = arith.constant 2 : i32
      %dma_start3A_776 = arith.constant 0 : i32
      %dma_start3A_777 = arith.constant 0 : i32
      %dma_start3A_778 = tpu.memref_slice %arg6[%dma_start3A_774, %dma_start3A_776, %dma_start3A_777] : memref<8x8x1024xf32, #tpu.memory_space<vmem>> -> memref<1x8x1024xf32, #tpu.memory_space<vmem>>
      %dma_start3A_779 = tpu.memref_squeeze %dma_start3A_778 : memref<1x8x1024xf32, #tpu.memory_space<vmem>> -> memref<8x1024xf32, #tpu.memory_space<vmem>>
      %dma_start3A_780 = tpu.memref_slice %arg5[%multiple_of3A_773] : memref<512xi32, #tpu.memory_space<vmem>> -> memref<8xi32, #tpu.memory_space<vmem>>
      %dma_start3A_781 = arith.constant 0 : i32
      %dma_start3A_782 = arith.constant 0 : i32
      %dma_start3A_783 = tpu.memref_slice %arg3[%dma_start3A_781, %dma_start3A_782] : memref<100000x1024xf32, #tpu.memory_space<hbm>> -> memref<100000x1024xf32, #tpu.memory_space<hbm>>
      %dma_start3A_784 = tpu.memref_slice %arg7[%dma_start3A_775] : memref<8x!tpu.dma_semaphore, #tpu.memory_space<semaphore_mem>> -> memref<1x!tpu.dma_semaphore, #tpu.memory_space<semaphore_mem>>
      %dma_start3A_785 = tpu.memref_squeeze %dma_start3A_784 : memref<1x!tpu.dma_semaphore, #tpu.memory_space<semaphore_mem>> -> memref<!tpu.dma_semaphore, #tpu.memory_space<semaphore_mem>>
      tpu.enqueue_indirect_dma source(%dma_start3A_783 : memref<100000x1024xf32, #tpu.memory_space<hbm>>) target(%dma_start3A_779 : memref<8x1024xf32, #tpu.memory_space<vmem>>) offsets(%dma_start3A_780 : memref<8xi32, #tpu.memory_space<vmem>>) semaphore(%dma_start3A_785 : memref<!tpu.dma_semaphore, #tpu.memory_space<semaphore_mem>>)
      %mul3A_786 = arith.constant 8 : i32
      %mul3A_787 = arith.muli %scan3A_563, %mul3A_786 : i32
      %add3A_788 = arith.constant 3 : i32
      %add3A_789 = arith.addi %mul3A_787, %add3A_788 : i32
      %dma_wait3A_790 = arith.constant 3 : i32
      %dma_wait3A_791 = arith.constant 3 : i32
      %dma_wait3A_792 = arith.constant 0 : i32
      %dma_wait3A_793 = arith.constant 0 : i32
      %dma_wait3A_794 = tpu.memref_slice %arg6[%dma_wait3A_790, %dma_wait3A_792, %dma_wait3A_793] : memref<8x8x1024xf32, #tpu.memory_space<vmem>> -> memref<1x8x1024xf32, #tpu.memory_space<vmem>>
      %dma_wait3A_795 = tpu.memref_squeeze %dma_wait3A_794 : memref<1x8x1024xf32, #tpu.memory_space<vmem>> -> memref<8x1024xf32, #tpu.memory_space<vmem>>
      %dma_wait3A_796 = arith.constant 0 : i32
      %dma_wait3A_797 = tpu.memref_slice %arg5[%dma_wait3A_796] : memref<512xi32, #tpu.memory_space<vmem>> -> memref<8xi32, #tpu.memory_space<vmem>>
      %dma_wait3A_798 = arith.constant 0 : i32
      %dma_wait3A_799 = arith.constant 0 : i32
      %dma_wait3A_800 = tpu.memref_slice %arg3[%dma_wait3A_798, %dma_wait3A_799] : memref<100000x1024xf32, #tpu.memory_space<hbm>> -> memref<100000x1024xf32, #tpu.memory_space<hbm>>
      %dma_wait3A_801 = tpu.memref_slice %arg7[%dma_wait3A_791] : memref<8x!tpu.dma_semaphore, #tpu.memory_space<semaphore_mem>> -> memref<1x!tpu.dma_semaphore, #tpu.memory_space<semaphore_mem>>
      %dma_wait3A_802 = tpu.memref_squeeze %dma_wait3A_801 : memref<1x!tpu.dma_semaphore, #tpu.memory_space<semaphore_mem>> -> memref<!tpu.dma_semaphore, #tpu.memory_space<semaphore_mem>>
      tpu.wait_indirect_dma semaphore(%dma_wait3A_802 : memref<!tpu.dma_semaphore, #tpu.memory_space<semaphore_mem>>) src(%dma_wait3A_800 : memref<100000x1024xf32, #tpu.memory_space<hbm>>) dst(%dma_wait3A_795 : memref<8x1024xf32, #tpu.memory_space<vmem>>)
      %mul3A_803 = arith.constant 8 : i32
      %mul3A_804 = arith.muli %add3A_789, %mul3A_803 : i32
      %add3A_805 = arith.addi %multiple_of3A, %mul3A_804 : i32
      %multiple_of3A_806 = tpu.assume_multiple %add3A_805, 8 : i32
      %dma_start3A_807 = arith.constant 3 : i32
      %dma_start3A_808 = arith.constant 3 : i32
      %dma_start3A_809 = arith.constant 0 : i32
      %dma_start3A_810 = arith.constant 0 : i32
      %dma_start3A_811 = tpu.memref_slice %arg6[%dma_start3A_807, %dma_start3A_809, %dma_start3A_810] : memref<8x8x1024xf32, #tpu.memory_space<vmem>> -> memref<1x8x1024xf32, #tpu.memory_space<vmem>>
      %dma_start3A_812 = tpu.memref_squeeze %dma_start3A_811 : memref<1x8x1024xf32, #tpu.memory_space<vmem>> -> memref<8x1024xf32, #tpu.memory_space<vmem>>
      %dma_start3A_813 = arith.constant 0 : i32
      %dma_start3A_814 = tpu.memref_slice %arg4[%select_n3A, %multiple_of3A_806, %dma_start3A_813] : memref<4x4096x1024xf32, #tpu.memory_space<hbm>> -> memref<1x8x1024xf32, #tpu.memory_space<hbm>>
      %dma_start3A_815 = tpu.memref_squeeze %dma_start3A_814 : memref<1x8x1024xf32, #tpu.memory_space<hbm>> -> memref<8x1024xf32, #tpu.memory_space<hbm>>
      %dma_start3A_816 = tpu.memref_slice %arg8[%dma_start3A_808] : memref<8x!tpu.dma_semaphore, #tpu.memory_space<semaphore_mem>> -> memref<1x!tpu.dma_semaphore, #tpu.memory_space<semaphore_mem>>
      %dma_start3A_817 = tpu.memref_squeeze %dma_start3A_816 : memref<1x!tpu.dma_semaphore, #tpu.memory_space<semaphore_mem>> -> memref<!tpu.dma_semaphore, #tpu.memory_space<semaphore_mem>>
      %dma_start3A_818 = arith.constant 0 : i32
      %dma_start3A_819 = tpu.memref_slice %arg4[%select_n3A, %multiple_of3A_806, %dma_start3A_818] : memref<4x4096x1024xf32, #tpu.memory_space<hbm>> -> memref<1x8x1024xf32, #tpu.memory_space<hbm>>
      %dma_start3A_820 = tpu.memref_squeeze %dma_start3A_819 : memref<1x8x1024xf32, #tpu.memory_space<hbm>> -> memref<8x1024xf32, #tpu.memory_space<hbm>>
      %dma_start3A_821 = arith.constant 0 : i32
      %dma_start3A_822 = arith.constant 0 : i32
      %dma_start3A_823 = tpu.memref_slice %arg6[%dma_start3A_807, %dma_start3A_821, %dma_start3A_822] : memref<8x8x1024xf32, #tpu.memory_space<vmem>> -> memref<1x8x1024xf32, #tpu.memory_space<vmem>>
      %dma_start3A_824 = tpu.memref_squeeze %dma_start3A_823 : memref<1x8x1024xf32, #tpu.memory_space<vmem>> -> memref<8x1024xf32, #tpu.memory_space<vmem>>
      tpu.enqueue_dma source(%dma_start3A_824 : memref<8x1024xf32, #tpu.memory_space<vmem>>) target(%dma_start3A_820 : memref<8x1024xf32, #tpu.memory_space<hbm>>) target_semaphore(%dma_start3A_817 : memref<!tpu.dma_semaphore, #tpu.memory_space<semaphore_mem>>)
      %dma_wait3A_825 = arith.constant 3 : i32
      %dma_wait3A_826 = arith.constant 3 : i32
      %dma_wait3A_827 = arith.constant 0 : i32
      %dma_wait3A_828 = arith.constant 0 : i32
      %dma_wait3A_829 = tpu.memref_slice %arg6[%dma_wait3A_825, %dma_wait3A_827, %dma_wait3A_828] : memref<8x8x1024xf32, #tpu.memory_space<vmem>> -> memref<1x8x1024xf32, #tpu.memory_space<vmem>>
      %dma_wait3A_830 = tpu.memref_squeeze %dma_wait3A_829 : memref<1x8x1024xf32, #tpu.memory_space<vmem>> -> memref<8x1024xf32, #tpu.memory_space<vmem>>
      %dma_wait3A_831 = arith.constant 0 : i32
      %dma_wait3A_832 = tpu.memref_slice %arg4[%select_n3A, %multiple_of3A, %dma_wait3A_831] : memref<4x4096x1024xf32, #tpu.memory_space<hbm>> -> memref<1x8x1024xf32, #tpu.memory_space<hbm>>
      %dma_wait3A_833 = tpu.memref_squeeze %dma_wait3A_832 : memref<1x8x1024xf32, #tpu.memory_space<hbm>> -> memref<8x1024xf32, #tpu.memory_space<hbm>>
      %dma_wait3A_834 = tpu.memref_slice %arg8[%dma_wait3A_826] : memref<8x!tpu.dma_semaphore, #tpu.memory_space<semaphore_mem>> -> memref<1x!tpu.dma_semaphore, #tpu.memory_space<semaphore_mem>>
      %dma_wait3A_835 = tpu.memref_squeeze %dma_wait3A_834 : memref<1x!tpu.dma_semaphore, #tpu.memory_space<semaphore_mem>> -> memref<!tpu.dma_semaphore, #tpu.memory_space<semaphore_mem>>
      %dma_wait3A_836 = arith.constant 0 : i32
      %dma_wait3A_837 = tpu.memref_slice %arg4[%select_n3A, %multiple_of3A, %dma_wait3A_836] : memref<4x4096x1024xf32, #tpu.memory_space<hbm>> -> memref<1x8x1024xf32, #tpu.memory_space<hbm>>
      %dma_wait3A_838 = tpu.memref_squeeze %dma_wait3A_837 : memref<1x8x1024xf32, #tpu.memory_space<hbm>> -> memref<8x1024xf32, #tpu.memory_space<hbm>>
      %dma_wait3A_839 = arith.constant 0 : i32
      %dma_wait3A_840 = arith.constant 0 : i32
      %dma_wait3A_841 = tpu.memref_slice %arg6[%dma_wait3A_825, %dma_wait3A_839, %dma_wait3A_840] : memref<8x8x1024xf32, #tpu.memory_space<vmem>> -> memref<1x8x1024xf32, #tpu.memory_space<vmem>>
      %dma_wait3A_842 = tpu.memref_squeeze %dma_wait3A_841 : memref<1x8x1024xf32, #tpu.memory_space<vmem>> -> memref<8x1024xf32, #tpu.memory_space<vmem>>
      tpu.wait_dma2 semaphore(%dma_wait3A_835 : memref<!tpu.dma_semaphore, #tpu.memory_space<semaphore_mem>>) src(%dma_wait3A_842 : memref<8x1024xf32, #tpu.memory_space<vmem>>) dst(%dma_wait3A_838 : memref<8x1024xf32, #tpu.memory_space<hbm>>)
      %add3A_843 = arith.constant 8 : i32
      %add3A_844 = arith.addi %add3A_789, %add3A_843 : i32
      %mul3A_845 = arith.constant 8 : i32
      %mul3A_846 = arith.muli %add3A_844, %mul3A_845 : i32
      %multiple_of3A_847 = tpu.assume_multiple %mul3A_846, 8 : i32
      %dma_start3A_848 = arith.constant 3 : i32
      %dma_start3A_849 = arith.constant 3 : i32
      %dma_start3A_850 = arith.constant 0 : i32
      %dma_start3A_851 = arith.constant 0 : i32
      %dma_start3A_852 = tpu.memref_slice %arg6[%dma_start3A_848, %dma_start3A_850, %dma_start3A_851] : memref<8x8x1024xf32, #tpu.memory_space<vmem>> -> memref<1x8x1024xf32, #tpu.memory_space<vmem>>
      %dma_start3A_853 = tpu.memref_squeeze %dma_start3A_852 : memref<1x8x1024xf32, #tpu.memory_space<vmem>> -> memref<8x1024xf32, #tpu.memory_space<vmem>>
      %dma_start3A_854 = tpu.memref_slice %arg5[%multiple_of3A_847] : memref<512xi32, #tpu.memory_space<vmem>> -> memref<8xi32, #tpu.memory_space<vmem>>
      %dma_start3A_855 = arith.constant 0 : i32
      %dma_start3A_856 = arith.constant 0 : i32
      %dma_start3A_857 = tpu.memref_slice %arg3[%dma_start3A_855, %dma_start3A_856] : memref<100000x1024xf32, #tpu.memory_space<hbm>> -> memref<100000x1024xf32, #tpu.memory_space<hbm>>
      %dma_start3A_858 = tpu.memref_slice %arg7[%dma_start3A_849] : memref<8x!tpu.dma_semaphore, #tpu.memory_space<semaphore_mem>> -> memref<1x!tpu.dma_semaphore, #tpu.memory_space<semaphore_mem>>
      %dma_start3A_859 = tpu.memref_squeeze %dma_start3A_858 : memref<1x!tpu.dma_semaphore, #tpu.memory_space<semaphore_mem>> -> memref<!tpu.dma_semaphore, #tpu.memory_space<semaphore_mem>>
      tpu.enqueue_indirect_dma source(%dma_start3A_857 : memref<100000x1024xf32, #tpu.memory_space<hbm>>) target(%dma_start3A_853 : memref<8x1024xf32, #tpu.memory_space<vmem>>) offsets(%dma_start3A_854 : memref<8xi32, #tpu.memory_space<vmem>>) semaphore(%dma_start3A_859 : memref<!tpu.dma_semaphore, #tpu.memory_space<semaphore_mem>>)
      %mul3A_860 = arith.constant 8 : i32
      %mul3A_861 = arith.muli %scan3A_563, %mul3A_860 : i32
      %add3A_862 = arith.constant 4 : i32
      %add3A_863 = arith.addi %mul3A_861, %add3A_862 : i32
      %dma_wait3A_864 = arith.constant 4 : i32
      %dma_wait3A_865 = arith.constant 4 : i32
      %dma_wait3A_866 = arith.constant 0 : i32
      %dma_wait3A_867 = arith.constant 0 : i32
      %dma_wait3A_868 = tpu.memref_slice %arg6[%dma_wait3A_864, %dma_wait3A_866, %dma_wait3A_867] : memref<8x8x1024xf32, #tpu.memory_space<vmem>> -> memref<1x8x1024xf32, #tpu.memory_space<vmem>>
      %dma_wait3A_869 = tpu.memref_squeeze %dma_wait3A_868 : memref<1x8x1024xf32, #tpu.memory_space<vmem>> -> memref<8x1024xf32, #tpu.memory_space<vmem>>
      %dma_wait3A_870 = arith.constant 0 : i32
      %dma_wait3A_871 = tpu.memref_slice %arg5[%dma_wait3A_870] : memref<512xi32, #tpu.memory_space<vmem>> -> memref<8xi32, #tpu.memory_space<vmem>>
      %dma_wait3A_872 = arith.constant 0 : i32
      %dma_wait3A_873 = arith.constant 0 : i32
      %dma_wait3A_874 = tpu.memref_slice %arg3[%dma_wait3A_872, %dma_wait3A_873] : memref<100000x1024xf32, #tpu.memory_space<hbm>> -> memref<100000x1024xf32, #tpu.memory_space<hbm>>
      %dma_wait3A_875 = tpu.memref_slice %arg7[%dma_wait3A_865] : memref<8x!tpu.dma_semaphore, #tpu.memory_space<semaphore_mem>> -> memref<1x!tpu.dma_semaphore, #tpu.memory_space<semaphore_mem>>
      %dma_wait3A_876 = tpu.memref_squeeze %dma_wait3A_875 : memref<1x!tpu.dma_semaphore, #tpu.memory_space<semaphore_mem>> -> memref<!tpu.dma_semaphore, #tpu.memory_space<semaphore_mem>>
      tpu.wait_indirect_dma semaphore(%dma_wait3A_876 : memref<!tpu.dma_semaphore, #tpu.memory_space<semaphore_mem>>) src(%dma_wait3A_874 : memref<100000x1024xf32, #tpu.memory_space<hbm>>) dst(%dma_wait3A_869 : memref<8x1024xf32, #tpu.memory_space<vmem>>)
      %mul3A_877 = arith.constant 8 : i32
      %mul3A_878 = arith.muli %add3A_863, %mul3A_877 : i32
      %add3A_879 = arith.addi %multiple_of3A, %mul3A_878 : i32
      %multiple_of3A_880 = tpu.assume_multiple %add3A_879, 8 : i32
      %dma_start3A_881 = arith.constant 4 : i32
      %dma_start3A_882 = arith.constant 4 : i32
      %dma_start3A_883 = arith.constant 0 : i32
      %dma_start3A_884 = arith.constant 0 : i32
      %dma_start3A_885 = tpu.memref_slice %arg6[%dma_start3A_881, %dma_start3A_883, %dma_start3A_884] : memref<8x8x1024xf32, #tpu.memory_space<vmem>> -> memref<1x8x1024xf32, #tpu.memory_space<vmem>>
      %dma_start3A_886 = tpu.memref_squeeze %dma_start3A_885 : memref<1x8x1024xf32, #tpu.memory_space<vmem>> -> memref<8x1024xf32, #tpu.memory_space<vmem>>
      %dma_start3A_887 = arith.constant 0 : i32
      %dma_start3A_888 = tpu.memref_slice %arg4[%select_n3A, %multiple_of3A_880, %dma_start3A_887] : memref<4x4096x1024xf32, #tpu.memory_space<hbm>> -> memref<1x8x1024xf32, #tpu.memory_space<hbm>>
      %dma_start3A_889 = tpu.memref_squeeze %dma_start3A_888 : memref<1x8x1024xf32, #tpu.memory_space<hbm>> -> memref<8x1024xf32, #tpu.memory_space<hbm>>
      %dma_start3A_890 = tpu.memref_slice %arg8[%dma_start3A_882] : memref<8x!tpu.dma_semaphore, #tpu.memory_space<semaphore_mem>> -> memref<1x!tpu.dma_semaphore, #tpu.memory_space<semaphore_mem>>
      %dma_start3A_891 = tpu.memref_squeeze %dma_start3A_890 : memref<1x!tpu.dma_semaphore, #tpu.memory_space<semaphore_mem>> -> memref<!tpu.dma_semaphore, #tpu.memory_space<semaphore_mem>>
      %dma_start3A_892 = arith.constant 0 : i32
      %dma_start3A_893 = tpu.memref_slice %arg4[%select_n3A, %multiple_of3A_880, %dma_start3A_892] : memref<4x4096x1024xf32, #tpu.memory_space<hbm>> -> memref<1x8x1024xf32, #tpu.memory_space<hbm>>
      %dma_start3A_894 = tpu.memref_squeeze %dma_start3A_893 : memref<1x8x1024xf32, #tpu.memory_space<hbm>> -> memref<8x1024xf32, #tpu.memory_space<hbm>>
      %dma_start3A_895 = arith.constant 0 : i32
      %dma_start3A_896 = arith.constant 0 : i32
      %dma_start3A_897 = tpu.memref_slice %arg6[%dma_start3A_881, %dma_start3A_895, %dma_start3A_896] : memref<8x8x1024xf32, #tpu.memory_space<vmem>> -> memref<1x8x1024xf32, #tpu.memory_space<vmem>>
      %dma_start3A_898 = tpu.memref_squeeze %dma_start3A_897 : memref<1x8x1024xf32, #tpu.memory_space<vmem>> -> memref<8x1024xf32, #tpu.memory_space<vmem>>
      tpu.enqueue_dma source(%dma_start3A_898 : memref<8x1024xf32, #tpu.memory_space<vmem>>) target(%dma_start3A_894 : memref<8x1024xf32, #tpu.memory_space<hbm>>) target_semaphore(%dma_start3A_891 : memref<!tpu.dma_semaphore, #tpu.memory_space<semaphore_mem>>)
      %dma_wait3A_899 = arith.constant 4 : i32
      %dma_wait3A_900 = arith.constant 4 : i32
      %dma_wait3A_901 = arith.constant 0 : i32
      %dma_wait3A_902 = arith.constant 0 : i32
      %dma_wait3A_903 = tpu.memref_slice %arg6[%dma_wait3A_899, %dma_wait3A_901, %dma_wait3A_902] : memref<8x8x1024xf32, #tpu.memory_space<vmem>> -> memref<1x8x1024xf32, #tpu.memory_space<vmem>>
      %dma_wait3A_904 = tpu.memref_squeeze %dma_wait3A_903 : memref<1x8x1024xf32, #tpu.memory_space<vmem>> -> memref<8x1024xf32, #tpu.memory_space<vmem>>
      %dma_wait3A_905 = arith.constant 0 : i32
      %dma_wait3A_906 = tpu.memref_slice %arg4[%select_n3A, %multiple_of3A, %dma_wait3A_905] : memref<4x4096x1024xf32, #tpu.memory_space<hbm>> -> memref<1x8x1024xf32, #tpu.memory_space<hbm>>
      %dma_wait3A_907 = tpu.memref_squeeze %dma_wait3A_906 : memref<1x8x1024xf32, #tpu.memory_space<hbm>> -> memref<8x1024xf32, #tpu.memory_space<hbm>>
      %dma_wait3A_908 = tpu.memref_slice %arg8[%dma_wait3A_900] : memref<8x!tpu.dma_semaphore, #tpu.memory_space<semaphore_mem>> -> memref<1x!tpu.dma_semaphore, #tpu.memory_space<semaphore_mem>>
      %dma_wait3A_909 = tpu.memref_squeeze %dma_wait3A_908 : memref<1x!tpu.dma_semaphore, #tpu.memory_space<semaphore_mem>> -> memref<!tpu.dma_semaphore, #tpu.memory_space<semaphore_mem>>
      %dma_wait3A_910 = arith.constant 0 : i32
      %dma_wait3A_911 = tpu.memref_slice %arg4[%select_n3A, %multiple_of3A, %dma_wait3A_910] : memref<4x4096x1024xf32, #tpu.memory_space<hbm>> -> memref<1x8x1024xf32, #tpu.memory_space<hbm>>
      %dma_wait3A_912 = tpu.memref_squeeze %dma_wait3A_911 : memref<1x8x1024xf32, #tpu.memory_space<hbm>> -> memref<8x1024xf32, #tpu.memory_space<hbm>>
      %dma_wait3A_913 = arith.constant 0 : i32
      %dma_wait3A_914 = arith.constant 0 : i32
      %dma_wait3A_915 = tpu.memref_slice %arg6[%dma_wait3A_899, %dma_wait3A_913, %dma_wait3A_914] : memref<8x8x1024xf32, #tpu.memory_space<vmem>> -> memref<1x8x1024xf32, #tpu.memory_space<vmem>>
      %dma_wait3A_916 = tpu.memref_squeeze %dma_wait3A_915 : memref<1x8x1024xf32, #tpu.memory_space<vmem>> -> memref<8x1024xf32, #tpu.memory_space<vmem>>
      tpu.wait_dma2 semaphore(%dma_wait3A_909 : memref<!tpu.dma_semaphore, #tpu.memory_space<semaphore_mem>>) src(%dma_wait3A_916 : memref<8x1024xf32, #tpu.memory_space<vmem>>) dst(%dma_wait3A_912 : memref<8x1024xf32, #tpu.memory_space<hbm>>)
      %add3A_917 = arith.constant 8 : i32
      %add3A_918 = arith.addi %add3A_863, %add3A_917 : i32
      %mul3A_919 = arith.constant 8 : i32
      %mul3A_920 = arith.muli %add3A_918, %mul3A_919 : i32
      %multiple_of3A_921 = tpu.assume_multiple %mul3A_920, 8 : i32
      %dma_start3A_922 = arith.constant 4 : i32
      %dma_start3A_923 = arith.constant 4 : i32
      %dma_start3A_924 = arith.constant 0 : i32
      %dma_start3A_925 = arith.constant 0 : i32
      %dma_start3A_926 = tpu.memref_slice %arg6[%dma_start3A_922, %dma_start3A_924, %dma_start3A_925] : memref<8x8x1024xf32, #tpu.memory_space<vmem>> -> memref<1x8x1024xf32, #tpu.memory_space<vmem>>
      %dma_start3A_927 = tpu.memref_squeeze %dma_start3A_926 : memref<1x8x1024xf32, #tpu.memory_space<vmem>> -> memref<8x1024xf32, #tpu.memory_space<vmem>>
      %dma_start3A_928 = tpu.memref_slice %arg5[%multiple_of3A_921] : memref<512xi32, #tpu.memory_space<vmem>> -> memref<8xi32, #tpu.memory_space<vmem>>
      %dma_start3A_929 = arith.constant 0 : i32
      %dma_start3A_930 = arith.constant 0 : i32
      %dma_start3A_931 = tpu.memref_slice %arg3[%dma_start3A_929, %dma_start3A_930] : memref<100000x1024xf32, #tpu.memory_space<hbm>> -> memref<100000x1024xf32, #tpu.memory_space<hbm>>
      %dma_start3A_932 = tpu.memref_slice %arg7[%dma_start3A_923] : memref<8x!tpu.dma_semaphore, #tpu.memory_space<semaphore_mem>> -> memref<1x!tpu.dma_semaphore, #tpu.memory_space<semaphore_mem>>
      %dma_start3A_933 = tpu.memref_squeeze %dma_start3A_932 : memref<1x!tpu.dma_semaphore, #tpu.memory_space<semaphore_mem>> -> memref<!tpu.dma_semaphore, #tpu.memory_space<semaphore_mem>>
      tpu.enqueue_indirect_dma source(%dma_start3A_931 : memref<100000x1024xf32, #tpu.memory_space<hbm>>) target(%dma_start3A_927 : memref<8x1024xf32, #tpu.memory_space<vmem>>) offsets(%dma_start3A_928 : memref<8xi32, #tpu.memory_space<vmem>>) semaphore(%dma_start3A_933 : memref<!tpu.dma_semaphore, #tpu.memory_space<semaphore_mem>>)
      %mul3A_934 = arith.constant 8 : i32
      %mul3A_935 = arith.muli %scan3A_563, %mul3A_934 : i32
      %add3A_936 = arith.constant 5 : i32
      %add3A_937 = arith.addi %mul3A_935, %add3A_936 : i32
      %dma_wait3A_938 = arith.constant 5 : i32
      %dma_wait3A_939 = arith.constant 5 : i32
      %dma_wait3A_940 = arith.constant 0 : i32
      %dma_wait3A_941 = arith.constant 0 : i32
      %dma_wait3A_942 = tpu.memref_slice %arg6[%dma_wait3A_938, %dma_wait3A_940, %dma_wait3A_941] : memref<8x8x1024xf32, #tpu.memory_space<vmem>> -> memref<1x8x1024xf32, #tpu.memory_space<vmem>>
      %dma_wait3A_943 = tpu.memref_squeeze %dma_wait3A_942 : memref<1x8x1024xf32, #tpu.memory_space<vmem>> -> memref<8x1024xf32, #tpu.memory_space<vmem>>
      %dma_wait3A_944 = arith.constant 0 : i32
      %dma_wait3A_945 = tpu.memref_slice %arg5[%dma_wait3A_944] : memref<512xi32, #tpu.memory_space<vmem>> -> memref<8xi32, #tpu.memory_space<vmem>>
      %dma_wait3A_946 = arith.constant 0 : i32
      %dma_wait3A_947 = arith.constant 0 : i32
      %dma_wait3A_948 = tpu.memref_slice %arg3[%dma_wait3A_946, %dma_wait3A_947] : memref<100000x1024xf32, #tpu.memory_space<hbm>> -> memref<100000x1024xf32, #tpu.memory_space<hbm>>
      %dma_wait3A_949 = tpu.memref_slice %arg7[%dma_wait3A_939] : memref<8x!tpu.dma_semaphore, #tpu.memory_space<semaphore_mem>> -> memref<1x!tpu.dma_semaphore, #tpu.memory_space<semaphore_mem>>
      %dma_wait3A_950 = tpu.memref_squeeze %dma_wait3A_949 : memref<1x!tpu.dma_semaphore, #tpu.memory_space<semaphore_mem>> -> memref<!tpu.dma_semaphore, #tpu.memory_space<semaphore_mem>>
      tpu.wait_indirect_dma semaphore(%dma_wait3A_950 : memref<!tpu.dma_semaphore, #tpu.memory_space<semaphore_mem>>) src(%dma_wait3A_948 : memref<100000x1024xf32, #tpu.memory_space<hbm>>) dst(%dma_wait3A_943 : memref<8x1024xf32, #tpu.memory_space<vmem>>)
      %mul3A_951 = arith.constant 8 : i32
      %mul3A_952 = arith.muli %add3A_937, %mul3A_951 : i32
      %add3A_953 = arith.addi %multiple_of3A, %mul3A_952 : i32
      %multiple_of3A_954 = tpu.assume_multiple %add3A_953, 8 : i32
      %dma_start3A_955 = arith.constant 5 : i32
      %dma_start3A_956 = arith.constant 5 : i32
      %dma_start3A_957 = arith.constant 0 : i32
      %dma_start3A_958 = arith.constant 0 : i32
      %dma_start3A_959 = tpu.memref_slice %arg6[%dma_start3A_955, %dma_start3A_957, %dma_start3A_958] : memref<8x8x1024xf32, #tpu.memory_space<vmem>> -> memref<1x8x1024xf32, #tpu.memory_space<vmem>>
      %dma_start3A_960 = tpu.memref_squeeze %dma_start3A_959 : memref<1x8x1024xf32, #tpu.memory_space<vmem>> -> memref<8x1024xf32, #tpu.memory_space<vmem>>
      %dma_start3A_961 = arith.constant 0 : i32
      %dma_start3A_962 = tpu.memref_slice %arg4[%select_n3A, %multiple_of3A_954, %dma_start3A_961] : memref<4x4096x1024xf32, #tpu.memory_space<hbm>> -> memref<1x8x1024xf32, #tpu.memory_space<hbm>>
      %dma_start3A_963 = tpu.memref_squeeze %dma_start3A_962 : memref<1x8x1024xf32, #tpu.memory_space<hbm>> -> memref<8x1024xf32, #tpu.memory_space<hbm>>
      %dma_start3A_964 = tpu.memref_slice %arg8[%dma_start3A_956] : memref<8x!tpu.dma_semaphore, #tpu.memory_space<semaphore_mem>> -> memref<1x!tpu.dma_semaphore, #tpu.memory_space<semaphore_mem>>
      %dma_start3A_965 = tpu.memref_squeeze %dma_start3A_964 : memref<1x!tpu.dma_semaphore, #tpu.memory_space<semaphore_mem>> -> memref<!tpu.dma_semaphore, #tpu.memory_space<semaphore_mem>>
      %dma_start3A_966 = arith.constant 0 : i32
      %dma_start3A_967 = tpu.memref_slice %arg4[%select_n3A, %multiple_of3A_954, %dma_start3A_966] : memref<4x4096x1024xf32, #tpu.memory_space<hbm>> -> memref<1x8x1024xf32, #tpu.memory_space<hbm>>
      %dma_start3A_968 = tpu.memref_squeeze %dma_start3A_967 : memref<1x8x1024xf32, #tpu.memory_space<hbm>> -> memref<8x1024xf32, #tpu.memory_space<hbm>>
      %dma_start3A_969 = arith.constant 0 : i32
      %dma_start3A_970 = arith.constant 0 : i32
      %dma_start3A_971 = tpu.memref_slice %arg6[%dma_start3A_955, %dma_start3A_969, %dma_start3A_970] : memref<8x8x1024xf32, #tpu.memory_space<vmem>> -> memref<1x8x1024xf32, #tpu.memory_space<vmem>>
      %dma_start3A_972 = tpu.memref_squeeze %dma_start3A_971 : memref<1x8x1024xf32, #tpu.memory_space<vmem>> -> memref<8x1024xf32, #tpu.memory_space<vmem>>
      tpu.enqueue_dma source(%dma_start3A_972 : memref<8x1024xf32, #tpu.memory_space<vmem>>) target(%dma_start3A_968 : memref<8x1024xf32, #tpu.memory_space<hbm>>) target_semaphore(%dma_start3A_965 : memref<!tpu.dma_semaphore, #tpu.memory_space<semaphore_mem>>)
      %dma_wait3A_973 = arith.constant 5 : i32
      %dma_wait3A_974 = arith.constant 5 : i32
      %dma_wait3A_975 = arith.constant 0 : i32
      %dma_wait3A_976 = arith.constant 0 : i32
      %dma_wait3A_977 = tpu.memref_slice %arg6[%dma_wait3A_973, %dma_wait3A_975, %dma_wait3A_976] : memref<8x8x1024xf32, #tpu.memory_space<vmem>> -> memref<1x8x1024xf32, #tpu.memory_space<vmem>>
      %dma_wait3A_978 = tpu.memref_squeeze %dma_wait3A_977 : memref<1x8x1024xf32, #tpu.memory_space<vmem>> -> memref<8x1024xf32, #tpu.memory_space<vmem>>
      %dma_wait3A_979 = arith.constant 0 : i32
      %dma_wait3A_980 = tpu.memref_slice %arg4[%select_n3A, %multiple_of3A, %dma_wait3A_979] : memref<4x4096x1024xf32, #tpu.memory_space<hbm>> -> memref<1x8x1024xf32, #tpu.memory_space<hbm>>
      %dma_wait3A_981 = tpu.memref_squeeze %dma_wait3A_980 : memref<1x8x1024xf32, #tpu.memory_space<hbm>> -> memref<8x1024xf32, #tpu.memory_space<hbm>>
      %dma_wait3A_982 = tpu.memref_slice %arg8[%dma_wait3A_974] : memref<8x!tpu.dma_semaphore, #tpu.memory_space<semaphore_mem>> -> memref<1x!tpu.dma_semaphore, #tpu.memory_space<semaphore_mem>>
      %dma_wait3A_983 = tpu.memref_squeeze %dma_wait3A_982 : memref<1x!tpu.dma_semaphore, #tpu.memory_space<semaphore_mem>> -> memref<!tpu.dma_semaphore, #tpu.memory_space<semaphore_mem>>
      %dma_wait3A_984 = arith.constant 0 : i32
      %dma_wait3A_985 = tpu.memref_slice %arg4[%select_n3A, %multiple_of3A, %dma_wait3A_984] : memref<4x4096x1024xf32, #tpu.memory_space<hbm>> -> memref<1x8x1024xf32, #tpu.memory_space<hbm>>
      %dma_wait3A_986 = tpu.memref_squeeze %dma_wait3A_985 : memref<1x8x1024xf32, #tpu.memory_space<hbm>> -> memref<8x1024xf32, #tpu.memory_space<hbm>>
      %dma_wait3A_987 = arith.constant 0 : i32
      %dma_wait3A_988 = arith.constant 0 : i32
      %dma_wait3A_989 = tpu.memref_slice %arg6[%dma_wait3A_973, %dma_wait3A_987, %dma_wait3A_988] : memref<8x8x1024xf32, #tpu.memory_space<vmem>> -> memref<1x8x1024xf32, #tpu.memory_space<vmem>>
      %dma_wait3A_990 = tpu.memref_squeeze %dma_wait3A_989 : memref<1x8x1024xf32, #tpu.memory_space<vmem>> -> memref<8x1024xf32, #tpu.memory_space<vmem>>
      tpu.wait_dma2 semaphore(%dma_wait3A_983 : memref<!tpu.dma_semaphore, #tpu.memory_space<semaphore_mem>>) src(%dma_wait3A_990 : memref<8x1024xf32, #tpu.memory_space<vmem>>) dst(%dma_wait3A_986 : memref<8x1024xf32, #tpu.memory_space<hbm>>)
      %add3A_991 = arith.constant 8 : i32
      %add3A_992 = arith.addi %add3A_937, %add3A_991 : i32
      %mul3A_993 = arith.constant 8 : i32
      %mul3A_994 = arith.muli %add3A_992, %mul3A_993 : i32
      %multiple_of3A_995 = tpu.assume_multiple %mul3A_994, 8 : i32
      %dma_start3A_996 = arith.constant 5 : i32
      %dma_start3A_997 = arith.constant 5 : i32
      %dma_start3A_998 = arith.constant 0 : i32
      %dma_start3A_999 = arith.constant 0 : i32
      %dma_start3A_1000 = tpu.memref_slice %arg6[%dma_start3A_996, %dma_start3A_998, %dma_start3A_999] : memref<8x8x1024xf32, #tpu.memory_space<vmem>> -> memref<1x8x1024xf32, #tpu.memory_space<vmem>>
      %dma_start3A_1001 = tpu.memref_squeeze %dma_start3A_1000 : memref<1x8x1024xf32, #tpu.memory_space<vmem>> -> memref<8x1024xf32, #tpu.memory_space<vmem>>
      %dma_start3A_1002 = tpu.memref_slice %arg5[%multiple_of3A_995] : memref<512xi32, #tpu.memory_space<vmem>> -> memref<8xi32, #tpu.memory_space<vmem>>
      %dma_start3A_1003 = arith.constant 0 : i32
      %dma_start3A_1004 = arith.constant 0 : i32
      %dma_start3A_1005 = tpu.memref_slice %arg3[%dma_start3A_1003, %dma_start3A_1004] : memref<100000x1024xf32, #tpu.memory_space<hbm>> -> memref<100000x1024xf32, #tpu.memory_space<hbm>>
      %dma_start3A_1006 = tpu.memref_slice %arg7[%dma_start3A_997] : memref<8x!tpu.dma_semaphore, #tpu.memory_space<semaphore_mem>> -> memref<1x!tpu.dma_semaphore, #tpu.memory_space<semaphore_mem>>
      %dma_start3A_1007 = tpu.memref_squeeze %dma_start3A_1006 : memref<1x!tpu.dma_semaphore, #tpu.memory_space<semaphore_mem>> -> memref<!tpu.dma_semaphore, #tpu.memory_space<semaphore_mem>>
      tpu.enqueue_indirect_dma source(%dma_start3A_1005 : memref<100000x1024xf32, #tpu.memory_space<hbm>>) target(%dma_start3A_1001 : memref<8x1024xf32, #tpu.memory_space<vmem>>) offsets(%dma_start3A_1002 : memref<8xi32, #tpu.memory_space<vmem>>) semaphore(%dma_start3A_1007 : memref<!tpu.dma_semaphore, #tpu.memory_space<semaphore_mem>>)
      %mul3A_1008 = arith.constant 8 : i32
      %mul3A_1009 = arith.muli %scan3A_563, %mul3A_1008 : i32
      %add3A_1010 = arith.constant 6 : i32
      %add3A_1011 = arith.addi %mul3A_1009, %add3A_1010 : i32
      %dma_wait3A_1012 = arith.constant 6 : i32
      %dma_wait3A_1013 = arith.constant 6 : i32
      %dma_wait3A_1014 = arith.constant 0 : i32
      %dma_wait3A_1015 = arith.constant 0 : i32
      %dma_wait3A_1016 = tpu.memref_slice %arg6[%dma_wait3A_1012, %dma_wait3A_1014, %dma_wait3A_1015] : memref<8x8x1024xf32, #tpu.memory_space<vmem>> -> memref<1x8x1024xf32, #tpu.memory_space<vmem>>
      %dma_wait3A_1017 = tpu.memref_squeeze %dma_wait3A_1016 : memref<1x8x1024xf32, #tpu.memory_space<vmem>> -> memref<8x1024xf32, #tpu.memory_space<vmem>>
      %dma_wait3A_1018 = arith.constant 0 : i32
      %dma_wait3A_1019 = tpu.memref_slice %arg5[%dma_wait3A_1018] : memref<512xi32, #tpu.memory_space<vmem>> -> memref<8xi32, #tpu.memory_space<vmem>>
      %dma_wait3A_1020 = arith.constant 0 : i32
      %dma_wait3A_1021 = arith.constant 0 : i32
      %dma_wait3A_1022 = tpu.memref_slice %arg3[%dma_wait3A_1020, %dma_wait3A_1021] : memref<100000x1024xf32, #tpu.memory_space<hbm>> -> memref<100000x1024xf32, #tpu.memory_space<hbm>>
      %dma_wait3A_1023 = tpu.memref_slice %arg7[%dma_wait3A_1013] : memref<8x!tpu.dma_semaphore, #tpu.memory_space<semaphore_mem>> -> memref<1x!tpu.dma_semaphore, #tpu.memory_space<semaphore_mem>>
      %dma_wait3A_1024 = tpu.memref_squeeze %dma_wait3A_1023 : memref<1x!tpu.dma_semaphore, #tpu.memory_space<semaphore_mem>> -> memref<!tpu.dma_semaphore, #tpu.memory_space<semaphore_mem>>
      tpu.wait_indirect_dma semaphore(%dma_wait3A_1024 : memref<!tpu.dma_semaphore, #tpu.memory_space<semaphore_mem>>) src(%dma_wait3A_1022 : memref<100000x1024xf32, #tpu.memory_space<hbm>>) dst(%dma_wait3A_1017 : memref<8x1024xf32, #tpu.memory_space<vmem>>)
      %mul3A_1025 = arith.constant 8 : i32
      %mul3A_1026 = arith.muli %add3A_1011, %mul3A_1025 : i32
      %add3A_1027 = arith.addi %multiple_of3A, %mul3A_1026 : i32
      %multiple_of3A_1028 = tpu.assume_multiple %add3A_1027, 8 : i32
      %dma_start3A_1029 = arith.constant 6 : i32
      %dma_start3A_1030 = arith.constant 6 : i32
      %dma_start3A_1031 = arith.constant 0 : i32
      %dma_start3A_1032 = arith.constant 0 : i32
      %dma_start3A_1033 = tpu.memref_slice %arg6[%dma_start3A_1029, %dma_start3A_1031, %dma_start3A_1032] : memref<8x8x1024xf32, #tpu.memory_space<vmem>> -> memref<1x8x1024xf32, #tpu.memory_space<vmem>>
      %dma_start3A_1034 = tpu.memref_squeeze %dma_start3A_1033 : memref<1x8x1024xf32, #tpu.memory_space<vmem>> -> memref<8x1024xf32, #tpu.memory_space<vmem>>
      %dma_start3A_1035 = arith.constant 0 : i32
      %dma_start3A_1036 = tpu.memref_slice %arg4[%select_n3A, %multiple_of3A_1028, %dma_start3A_1035] : memref<4x4096x1024xf32, #tpu.memory_space<hbm>> -> memref<1x8x1024xf32, #tpu.memory_space<hbm>>
      %dma_start3A_1037 = tpu.memref_squeeze %dma_start3A_1036 : memref<1x8x1024xf32, #tpu.memory_space<hbm>> -> memref<8x1024xf32, #tpu.memory_space<hbm>>
      %dma_start3A_1038 = tpu.memref_slice %arg8[%dma_start3A_1030] : memref<8x!tpu.dma_semaphore, #tpu.memory_space<semaphore_mem>> -> memref<1x!tpu.dma_semaphore, #tpu.memory_space<semaphore_mem>>
      %dma_start3A_1039 = tpu.memref_squeeze %dma_start3A_1038 : memref<1x!tpu.dma_semaphore, #tpu.memory_space<semaphore_mem>> -> memref<!tpu.dma_semaphore, #tpu.memory_space<semaphore_mem>>
      %dma_start3A_1040 = arith.constant 0 : i32
      %dma_start3A_1041 = tpu.memref_slice %arg4[%select_n3A, %multiple_of3A_1028, %dma_start3A_1040] : memref<4x4096x1024xf32, #tpu.memory_space<hbm>> -> memref<1x8x1024xf32, #tpu.memory_space<hbm>>
      %dma_start3A_1042 = tpu.memref_squeeze %dma_start3A_1041 : memref<1x8x1024xf32, #tpu.memory_space<hbm>> -> memref<8x1024xf32, #tpu.memory_space<hbm>>
      %dma_start3A_1043 = arith.constant 0 : i32
      %dma_start3A_1044 = arith.constant 0 : i32
      %dma_start3A_1045 = tpu.memref_slice %arg6[%dma_start3A_1029, %dma_start3A_1043, %dma_start3A_1044] : memref<8x8x1024xf32, #tpu.memory_space<vmem>> -> memref<1x8x1024xf32, #tpu.memory_space<vmem>>
      %dma_start3A_1046 = tpu.memref_squeeze %dma_start3A_1045 : memref<1x8x1024xf32, #tpu.memory_space<vmem>> -> memref<8x1024xf32, #tpu.memory_space<vmem>>
      tpu.enqueue_dma source(%dma_start3A_1046 : memref<8x1024xf32, #tpu.memory_space<vmem>>) target(%dma_start3A_1042 : memref<8x1024xf32, #tpu.memory_space<hbm>>) target_semaphore(%dma_start3A_1039 : memref<!tpu.dma_semaphore, #tpu.memory_space<semaphore_mem>>)
      %dma_wait3A_1047 = arith.constant 6 : i32
      %dma_wait3A_1048 = arith.constant 6 : i32
      %dma_wait3A_1049 = arith.constant 0 : i32
      %dma_wait3A_1050 = arith.constant 0 : i32
      %dma_wait3A_1051 = tpu.memref_slice %arg6[%dma_wait3A_1047, %dma_wait3A_1049, %dma_wait3A_1050] : memref<8x8x1024xf32, #tpu.memory_space<vmem>> -> memref<1x8x1024xf32, #tpu.memory_space<vmem>>
      %dma_wait3A_1052 = tpu.memref_squeeze %dma_wait3A_1051 : memref<1x8x1024xf32, #tpu.memory_space<vmem>> -> memref<8x1024xf32, #tpu.memory_space<vmem>>
      %dma_wait3A_1053 = arith.constant 0 : i32
      %dma_wait3A_1054 = tpu.memref_slice %arg4[%select_n3A, %multiple_of3A, %dma_wait3A_1053] : memref<4x4096x1024xf32, #tpu.memory_space<hbm>> -> memref<1x8x1024xf32, #tpu.memory_space<hbm>>
      %dma_wait3A_1055 = tpu.memref_squeeze %dma_wait3A_1054 : memref<1x8x1024xf32, #tpu.memory_space<hbm>> -> memref<8x1024xf32, #tpu.memory_space<hbm>>
      %dma_wait3A_1056 = tpu.memref_slice %arg8[%dma_wait3A_1048] : memref<8x!tpu.dma_semaphore, #tpu.memory_space<semaphore_mem>> -> memref<1x!tpu.dma_semaphore, #tpu.memory_space<semaphore_mem>>
      %dma_wait3A_1057 = tpu.memref_squeeze %dma_wait3A_1056 : memref<1x!tpu.dma_semaphore, #tpu.memory_space<semaphore_mem>> -> memref<!tpu.dma_semaphore, #tpu.memory_space<semaphore_mem>>
      %dma_wait3A_1058 = arith.constant 0 : i32
      %dma_wait3A_1059 = tpu.memref_slice %arg4[%select_n3A, %multiple_of3A, %dma_wait3A_1058] : memref<4x4096x1024xf32, #tpu.memory_space<hbm>> -> memref<1x8x1024xf32, #tpu.memory_space<hbm>>
      %dma_wait3A_1060 = tpu.memref_squeeze %dma_wait3A_1059 : memref<1x8x1024xf32, #tpu.memory_space<hbm>> -> memref<8x1024xf32, #tpu.memory_space<hbm>>
      %dma_wait3A_1061 = arith.constant 0 : i32
      %dma_wait3A_1062 = arith.constant 0 : i32
      %dma_wait3A_1063 = tpu.memref_slice %arg6[%dma_wait3A_1047, %dma_wait3A_1061, %dma_wait3A_1062] : memref<8x8x1024xf32, #tpu.memory_space<vmem>> -> memref<1x8x1024xf32, #tpu.memory_space<vmem>>
      %dma_wait3A_1064 = tpu.memref_squeeze %dma_wait3A_1063 : memref<1x8x1024xf32, #tpu.memory_space<vmem>> -> memref<8x1024xf32, #tpu.memory_space<vmem>>
      tpu.wait_dma2 semaphore(%dma_wait3A_1057 : memref<!tpu.dma_semaphore, #tpu.memory_space<semaphore_mem>>) src(%dma_wait3A_1064 : memref<8x1024xf32, #tpu.memory_space<vmem>>) dst(%dma_wait3A_1060 : memref<8x1024xf32, #tpu.memory_space<hbm>>)
      %add3A_1065 = arith.constant 8 : i32
      %add3A_1066 = arith.addi %add3A_1011, %add3A_1065 : i32
      %mul3A_1067 = arith.constant 8 : i32
      %mul3A_1068 = arith.muli %add3A_1066, %mul3A_1067 : i32
      %multiple_of3A_1069 = tpu.assume_multiple %mul3A_1068, 8 : i32
      %dma_start3A_1070 = arith.constant 6 : i32
      %dma_start3A_1071 = arith.constant 6 : i32
      %dma_start3A_1072 = arith.constant 0 : i32
      %dma_start3A_1073 = arith.constant 0 : i32
      %dma_start3A_1074 = tpu.memref_slice %arg6[%dma_start3A_1070, %dma_start3A_1072, %dma_start3A_1073] : memref<8x8x1024xf32, #tpu.memory_space<vmem>> -> memref<1x8x1024xf32, #tpu.memory_space<vmem>>
      %dma_start3A_1075 = tpu.memref_squeeze %dma_start3A_1074 : memref<1x8x1024xf32, #tpu.memory_space<vmem>> -> memref<8x1024xf32, #tpu.memory_space<vmem>>
      %dma_start3A_1076 = tpu.memref_slice %arg5[%multiple_of3A_1069] : memref<512xi32, #tpu.memory_space<vmem>> -> memref<8xi32, #tpu.memory_space<vmem>>
      %dma_start3A_1077 = arith.constant 0 : i32
      %dma_start3A_1078 = arith.constant 0 : i32
      %dma_start3A_1079 = tpu.memref_slice %arg3[%dma_start3A_1077, %dma_start3A_1078] : memref<100000x1024xf32, #tpu.memory_space<hbm>> -> memref<100000x1024xf32, #tpu.memory_space<hbm>>
      %dma_start3A_1080 = tpu.memref_slice %arg7[%dma_start3A_1071] : memref<8x!tpu.dma_semaphore, #tpu.memory_space<semaphore_mem>> -> memref<1x!tpu.dma_semaphore, #tpu.memory_space<semaphore_mem>>
      %dma_start3A_1081 = tpu.memref_squeeze %dma_start3A_1080 : memref<1x!tpu.dma_semaphore, #tpu.memory_space<semaphore_mem>> -> memref<!tpu.dma_semaphore, #tpu.memory_space<semaphore_mem>>
      tpu.enqueue_indirect_dma source(%dma_start3A_1079 : memref<100000x1024xf32, #tpu.memory_space<hbm>>) target(%dma_start3A_1075 : memref<8x1024xf32, #tpu.memory_space<vmem>>) offsets(%dma_start3A_1076 : memref<8xi32, #tpu.memory_space<vmem>>) semaphore(%dma_start3A_1081 : memref<!tpu.dma_semaphore, #tpu.memory_space<semaphore_mem>>)
      %mul3A_1082 = arith.constant 8 : i32
      %mul3A_1083 = arith.muli %scan3A_563, %mul3A_1082 : i32
      %add3A_1084 = arith.constant 7 : i32
      %add3A_1085 = arith.addi %mul3A_1083, %add3A_1084 : i32
      %dma_wait3A_1086 = arith.constant 7 : i32
      %dma_wait3A_1087 = arith.constant 7 : i32
      %dma_wait3A_1088 = arith.constant 0 : i32
      %dma_wait3A_1089 = arith.constant 0 : i32
      %dma_wait3A_1090 = tpu.memref_slice %arg6[%dma_wait3A_1086, %dma_wait3A_1088, %dma_wait3A_1089] : memref<8x8x1024xf32, #tpu.memory_space<vmem>> -> memref<1x8x1024xf32, #tpu.memory_space<vmem>>
      %dma_wait3A_1091 = tpu.memref_squeeze %dma_wait3A_1090 : memref<1x8x1024xf32, #tpu.memory_space<vmem>> -> memref<8x1024xf32, #tpu.memory_space<vmem>>
      %dma_wait3A_1092 = arith.constant 0 : i32
      %dma_wait3A_1093 = tpu.memref_slice %arg5[%dma_wait3A_1092] : memref<512xi32, #tpu.memory_space<vmem>> -> memref<8xi32, #tpu.memory_space<vmem>>
      %dma_wait3A_1094 = arith.constant 0 : i32
      %dma_wait3A_1095 = arith.constant 0 : i32
      %dma_wait3A_1096 = tpu.memref_slice %arg3[%dma_wait3A_1094, %dma_wait3A_1095] : memref<100000x1024xf32, #tpu.memory_space<hbm>> -> memref<100000x1024xf32, #tpu.memory_space<hbm>>
      %dma_wait3A_1097 = tpu.memref_slice %arg7[%dma_wait3A_1087] : memref<8x!tpu.dma_semaphore, #tpu.memory_space<semaphore_mem>> -> memref<1x!tpu.dma_semaphore, #tpu.memory_space<semaphore_mem>>
      %dma_wait3A_1098 = tpu.memref_squeeze %dma_wait3A_1097 : memref<1x!tpu.dma_semaphore, #tpu.memory_space<semaphore_mem>> -> memref<!tpu.dma_semaphore, #tpu.memory_space<semaphore_mem>>
      tpu.wait_indirect_dma semaphore(%dma_wait3A_1098 : memref<!tpu.dma_semaphore, #tpu.memory_space<semaphore_mem>>) src(%dma_wait3A_1096 : memref<100000x1024xf32, #tpu.memory_space<hbm>>) dst(%dma_wait3A_1091 : memref<8x1024xf32, #tpu.memory_space<vmem>>)
      %mul3A_1099 = arith.constant 8 : i32
      %mul3A_1100 = arith.muli %add3A_1085, %mul3A_1099 : i32
      %add3A_1101 = arith.addi %multiple_of3A, %mul3A_1100 : i32
      %multiple_of3A_1102 = tpu.assume_multiple %add3A_1101, 8 : i32
      %dma_start3A_1103 = arith.constant 7 : i32
      %dma_start3A_1104 = arith.constant 7 : i32
      %dma_start3A_1105 = arith.constant 0 : i32
      %dma_start3A_1106 = arith.constant 0 : i32
      %dma_start3A_1107 = tpu.memref_slice %arg6[%dma_start3A_1103, %dma_start3A_1105, %dma_start3A_1106] : memref<8x8x1024xf32, #tpu.memory_space<vmem>> -> memref<1x8x1024xf32, #tpu.memory_space<vmem>>
      %dma_start3A_1108 = tpu.memref_squeeze %dma_start3A_1107 : memref<1x8x1024xf32, #tpu.memory_space<vmem>> -> memref<8x1024xf32, #tpu.memory_space<vmem>>
      %dma_start3A_1109 = arith.constant 0 : i32
      %dma_start3A_1110 = tpu.memref_slice %arg4[%select_n3A, %multiple_of3A_1102, %dma_start3A_1109] : memref<4x4096x1024xf32, #tpu.memory_space<hbm>> -> memref<1x8x1024xf32, #tpu.memory_space<hbm>>
      %dma_start3A_1111 = tpu.memref_squeeze %dma_start3A_1110 : memref<1x8x1024xf32, #tpu.memory_space<hbm>> -> memref<8x1024xf32, #tpu.memory_space<hbm>>
      %dma_start3A_1112 = tpu.memref_slice %arg8[%dma_start3A_1104] : memref<8x!tpu.dma_semaphore, #tpu.memory_space<semaphore_mem>> -> memref<1x!tpu.dma_semaphore, #tpu.memory_space<semaphore_mem>>
      %dma_start3A_1113 = tpu.memref_squeeze %dma_start3A_1112 : memref<1x!tpu.dma_semaphore, #tpu.memory_space<semaphore_mem>> -> memref<!tpu.dma_semaphore, #tpu.memory_space<semaphore_mem>>
      %dma_start3A_1114 = arith.constant 0 : i32
      %dma_start3A_1115 = tpu.memref_slice %arg4[%select_n3A, %multiple_of3A_1102, %dma_start3A_1114] : memref<4x4096x1024xf32, #tpu.memory_space<hbm>> -> memref<1x8x1024xf32, #tpu.memory_space<hbm>>
      %dma_start3A_1116 = tpu.memref_squeeze %dma_start3A_1115 : memref<1x8x1024xf32, #tpu.memory_space<hbm>> -> memref<8x1024xf32, #tpu.memory_space<hbm>>
      %dma_start3A_1117 = arith.constant 0 : i32
      %dma_start3A_1118 = arith.constant 0 : i32
      %dma_start3A_1119 = tpu.memref_slice %arg6[%dma_start3A_1103, %dma_start3A_1117, %dma_start3A_1118] : memref<8x8x1024xf32, #tpu.memory_space<vmem>> -> memref<1x8x1024xf32, #tpu.memory_space<vmem>>
      %dma_start3A_1120 = tpu.memref_squeeze %dma_start3A_1119 : memref<1x8x1024xf32, #tpu.memory_space<vmem>> -> memref<8x1024xf32, #tpu.memory_space<vmem>>
      tpu.enqueue_dma source(%dma_start3A_1120 : memref<8x1024xf32, #tpu.memory_space<vmem>>) target(%dma_start3A_1116 : memref<8x1024xf32, #tpu.memory_space<hbm>>) target_semaphore(%dma_start3A_1113 : memref<!tpu.dma_semaphore, #tpu.memory_space<semaphore_mem>>)
      %dma_wait3A_1121 = arith.constant 7 : i32
      %dma_wait3A_1122 = arith.constant 7 : i32
      %dma_wait3A_1123 = arith.constant 0 : i32
      %dma_wait3A_1124 = arith.constant 0 : i32
      %dma_wait3A_1125 = tpu.memref_slice %arg6[%dma_wait3A_1121, %dma_wait3A_1123, %dma_wait3A_1124] : memref<8x8x1024xf32, #tpu.memory_space<vmem>> -> memref<1x8x1024xf32, #tpu.memory_space<vmem>>
      %dma_wait3A_1126 = tpu.memref_squeeze %dma_wait3A_1125 : memref<1x8x1024xf32, #tpu.memory_space<vmem>> -> memref<8x1024xf32, #tpu.memory_space<vmem>>
      %dma_wait3A_1127 = arith.constant 0 : i32
      %dma_wait3A_1128 = tpu.memref_slice %arg4[%select_n3A, %multiple_of3A, %dma_wait3A_1127] : memref<4x4096x1024xf32, #tpu.memory_space<hbm>> -> memref<1x8x1024xf32, #tpu.memory_space<hbm>>
      %dma_wait3A_1129 = tpu.memref_squeeze %dma_wait3A_1128 : memref<1x8x1024xf32, #tpu.memory_space<hbm>> -> memref<8x1024xf32, #tpu.memory_space<hbm>>
      %dma_wait3A_1130 = tpu.memref_slice %arg8[%dma_wait3A_1122] : memref<8x!tpu.dma_semaphore, #tpu.memory_space<semaphore_mem>> -> memref<1x!tpu.dma_semaphore, #tpu.memory_space<semaphore_mem>>
      %dma_wait3A_1131 = tpu.memref_squeeze %dma_wait3A_1130 : memref<1x!tpu.dma_semaphore, #tpu.memory_space<semaphore_mem>> -> memref<!tpu.dma_semaphore, #tpu.memory_space<semaphore_mem>>
      %dma_wait3A_1132 = arith.constant 0 : i32
      %dma_wait3A_1133 = tpu.memref_slice %arg4[%select_n3A, %multiple_of3A, %dma_wait3A_1132] : memref<4x4096x1024xf32, #tpu.memory_space<hbm>> -> memref<1x8x1024xf32, #tpu.memory_space<hbm>>
      %dma_wait3A_1134 = tpu.memref_squeeze %dma_wait3A_1133 : memref<1x8x1024xf32, #tpu.memory_space<hbm>> -> memref<8x1024xf32, #tpu.memory_space<hbm>>
      %dma_wait3A_1135 = arith.constant 0 : i32
      %dma_wait3A_1136 = arith.constant 0 : i32
      %dma_wait3A_1137 = tpu.memref_slice %arg6[%dma_wait3A_1121, %dma_wait3A_1135, %dma_wait3A_1136] : memref<8x8x1024xf32, #tpu.memory_space<vmem>> -> memref<1x8x1024xf32, #tpu.memory_space<vmem>>
      %dma_wait3A_1138 = tpu.memref_squeeze %dma_wait3A_1137 : memref<1x8x1024xf32, #tpu.memory_space<vmem>> -> memref<8x1024xf32, #tpu.memory_space<vmem>>
      tpu.wait_dma2 semaphore(%dma_wait3A_1131 : memref<!tpu.dma_semaphore, #tpu.memory_space<semaphore_mem>>) src(%dma_wait3A_1138 : memref<8x1024xf32, #tpu.memory_space<vmem>>) dst(%dma_wait3A_1134 : memref<8x1024xf32, #tpu.memory_space<hbm>>)
      %add3A_1139 = arith.constant 8 : i32
      %add3A_1140 = arith.addi %add3A_1085, %add3A_1139 : i32
      %mul3A_1141 = arith.constant 8 : i32
      %mul3A_1142 = arith.muli %add3A_1140, %mul3A_1141 : i32
      %multiple_of3A_1143 = tpu.assume_multiple %mul3A_1142, 8 : i32
      %dma_start3A_1144 = arith.constant 7 : i32
      %dma_start3A_1145 = arith.constant 7 : i32
      %dma_start3A_1146 = arith.constant 0 : i32
      %dma_start3A_1147 = arith.constant 0 : i32
      %dma_start3A_1148 = tpu.memref_slice %arg6[%dma_start3A_1144, %dma_start3A_1146, %dma_start3A_1147] : memref<8x8x1024xf32, #tpu.memory_space<vmem>> -> memref<1x8x1024xf32, #tpu.memory_space<vmem>>
      %dma_start3A_1149 = tpu.memref_squeeze %dma_start3A_1148 : memref<1x8x1024xf32, #tpu.memory_space<vmem>> -> memref<8x1024xf32, #tpu.memory_space<vmem>>
      %dma_start3A_1150 = tpu.memref_slice %arg5[%multiple_of3A_1143] : memref<512xi32, #tpu.memory_space<vmem>> -> memref<8xi32, #tpu.memory_space<vmem>>
      %dma_start3A_1151 = arith.constant 0 : i32
      %dma_start3A_1152 = arith.constant 0 : i32
      %dma_start3A_1153 = tpu.memref_slice %arg3[%dma_start3A_1151, %dma_start3A_1152] : memref<100000x1024xf32, #tpu.memory_space<hbm>> -> memref<100000x1024xf32, #tpu.memory_space<hbm>>
      %dma_start3A_1154 = tpu.memref_slice %arg7[%dma_start3A_1145] : memref<8x!tpu.dma_semaphore, #tpu.memory_space<semaphore_mem>> -> memref<1x!tpu.dma_semaphore, #tpu.memory_space<semaphore_mem>>
      %dma_start3A_1155 = tpu.memref_squeeze %dma_start3A_1154 : memref<1x!tpu.dma_semaphore, #tpu.memory_space<semaphore_mem>> -> memref<!tpu.dma_semaphore, #tpu.memory_space<semaphore_mem>>
      tpu.enqueue_indirect_dma source(%dma_start3A_1153 : memref<100000x1024xf32, #tpu.memory_space<hbm>>) target(%dma_start3A_1149 : memref<8x1024xf32, #tpu.memory_space<vmem>>) offsets(%dma_start3A_1150 : memref<8xi32, #tpu.memory_space<vmem>>) semaphore(%dma_start3A_1155 : memref<!tpu.dma_semaphore, #tpu.memory_space<semaphore_mem>>)
    }
    %scan3A_147 = arith.constant 7 : i32
    %dma_wait3A = arith.constant 0 : i32
    %dma_wait3A_148 = arith.constant 0 : i32
    %dma_wait3A_149 = arith.constant 0 : i32
    %dma_wait3A_150 = arith.constant 0 : i32
    %dma_wait3A_151 = tpu.memref_slice %arg6[%dma_wait3A, %dma_wait3A_149, %dma_wait3A_150] : memref<8x8x1024xf32, #tpu.memory_space<vmem>> -> memref<1x8x1024xf32, #tpu.memory_space<vmem>>
    %dma_wait3A_152 = tpu.memref_squeeze %dma_wait3A_151 : memref<1x8x1024xf32, #tpu.memory_space<vmem>> -> memref<8x1024xf32, #tpu.memory_space<vmem>>
    %dma_wait3A_153 = arith.constant 0 : i32
    %dma_wait3A_154 = tpu.memref_slice %arg5[%dma_wait3A_153] : memref<512xi32, #tpu.memory_space<vmem>> -> memref<8xi32, #tpu.memory_space<vmem>>
    %dma_wait3A_155 = arith.constant 0 : i32
    %dma_wait3A_156 = arith.constant 0 : i32
    %dma_wait3A_157 = tpu.memref_slice %arg3[%dma_wait3A_155, %dma_wait3A_156] : memref<100000x1024xf32, #tpu.memory_space<hbm>> -> memref<100000x1024xf32, #tpu.memory_space<hbm>>
    %dma_wait3A_158 = tpu.memref_slice %arg7[%dma_wait3A_148] : memref<8x!tpu.dma_semaphore, #tpu.memory_space<semaphore_mem>> -> memref<1x!tpu.dma_semaphore, #tpu.memory_space<semaphore_mem>>
    %dma_wait3A_159 = tpu.memref_squeeze %dma_wait3A_158 : memref<1x!tpu.dma_semaphore, #tpu.memory_space<semaphore_mem>> -> memref<!tpu.dma_semaphore, #tpu.memory_space<semaphore_mem>>
    tpu.wait_indirect_dma semaphore(%dma_wait3A_159 : memref<!tpu.dma_semaphore, #tpu.memory_space<semaphore_mem>>) src(%dma_wait3A_157 : memref<100000x1024xf32, #tpu.memory_space<hbm>>) dst(%dma_wait3A_152 : memref<8x1024xf32, #tpu.memory_space<vmem>>)
    %add3A_160 = arith.constant 448 : i32
    %add3A_161 = arith.addi %multiple_of3A, %add3A_160 : i32
    %multiple_of3A_162 = tpu.assume_multiple %add3A_161, 8 : i32
    %dma_start3A_163 = arith.constant 0 : i32
    %dma_start3A_164 = arith.constant 0 : i32
    %dma_start3A_165 = arith.constant 0 : i32
    %dma_start3A_166 = arith.constant 0 : i32
    %dma_start3A_167 = tpu.memref_slice %arg6[%dma_start3A_163, %dma_start3A_165, %dma_start3A_166] : memref<8x8x1024xf32, #tpu.memory_space<vmem>> -> memref<1x8x1024xf32, #tpu.memory_space<vmem>>
    %dma_start3A_168 = tpu.memref_squeeze %dma_start3A_167 : memref<1x8x1024xf32, #tpu.memory_space<vmem>> -> memref<8x1024xf32, #tpu.memory_space<vmem>>
    %dma_start3A_169 = arith.constant 0 : i32
    %dma_start3A_170 = tpu.memref_slice %arg4[%select_n3A, %multiple_of3A_162, %dma_start3A_169] : memref<4x4096x1024xf32, #tpu.memory_space<hbm>> -> memref<1x8x1024xf32, #tpu.memory_space<hbm>>
    %dma_start3A_171 = tpu.memref_squeeze %dma_start3A_170 : memref<1x8x1024xf32, #tpu.memory_space<hbm>> -> memref<8x1024xf32, #tpu.memory_space<hbm>>
    %dma_start3A_172 = tpu.memref_slice %arg8[%dma_start3A_164] : memref<8x!tpu.dma_semaphore, #tpu.memory_space<semaphore_mem>> -> memref<1x!tpu.dma_semaphore, #tpu.memory_space<semaphore_mem>>
    %dma_start3A_173 = tpu.memref_squeeze %dma_start3A_172 : memref<1x!tpu.dma_semaphore, #tpu.memory_space<semaphore_mem>> -> memref<!tpu.dma_semaphore, #tpu.memory_space<semaphore_mem>>
    %dma_start3A_174 = arith.constant 0 : i32
    %dma_start3A_175 = tpu.memref_slice %arg4[%select_n3A, %multiple_of3A_162, %dma_start3A_174] : memref<4x4096x1024xf32, #tpu.memory_space<hbm>> -> memref<1x8x1024xf32, #tpu.memory_space<hbm>>
    %dma_start3A_176 = tpu.memref_squeeze %dma_start3A_175 : memref<1x8x1024xf32, #tpu.memory_space<hbm>> -> memref<8x1024xf32, #tpu.memory_space<hbm>>
    %dma_start3A_177 = arith.constant 0 : i32
    %dma_start3A_178 = arith.constant 0 : i32
    %dma_start3A_179 = tpu.memref_slice %arg6[%dma_start3A_163, %dma_start3A_177, %dma_start3A_178] : memref<8x8x1024xf32, #tpu.memory_space<vmem>> -> memref<1x8x1024xf32, #tpu.memory_space<vmem>>
    %dma_start3A_180 = tpu.memref_squeeze %dma_start3A_179 : memref<1x8x1024xf32, #tpu.memory_space<vmem>> -> memref<8x1024xf32, #tpu.memory_space<vmem>>
    tpu.enqueue_dma source(%dma_start3A_180 : memref<8x1024xf32, #tpu.memory_space<vmem>>) target(%dma_start3A_176 : memref<8x1024xf32, #tpu.memory_space<hbm>>) target_semaphore(%dma_start3A_173 : memref<!tpu.dma_semaphore, #tpu.memory_space<semaphore_mem>>)
    %dma_wait3A_181 = arith.constant 1 : i32
    %dma_wait3A_182 = arith.constant 1 : i32
    %dma_wait3A_183 = arith.constant 0 : i32
    %dma_wait3A_184 = arith.constant 0 : i32
    %dma_wait3A_185 = tpu.memref_slice %arg6[%dma_wait3A_181, %dma_wait3A_183, %dma_wait3A_184] : memref<8x8x1024xf32, #tpu.memory_space<vmem>> -> memref<1x8x1024xf32, #tpu.memory_space<vmem>>
    %dma_wait3A_186 = tpu.memref_squeeze %dma_wait3A_185 : memref<1x8x1024xf32, #tpu.memory_space<vmem>> -> memref<8x1024xf32, #tpu.memory_space<vmem>>
    %dma_wait3A_187 = arith.constant 0 : i32
    %dma_wait3A_188 = tpu.memref_slice %arg5[%dma_wait3A_187] : memref<512xi32, #tpu.memory_space<vmem>> -> memref<8xi32, #tpu.memory_space<vmem>>
    %dma_wait3A_189 = arith.constant 0 : i32
    %dma_wait3A_190 = arith.constant 0 : i32
    %dma_wait3A_191 = tpu.memref_slice %arg3[%dma_wait3A_189, %dma_wait3A_190] : memref<100000x1024xf32, #tpu.memory_space<hbm>> -> memref<100000x1024xf32, #tpu.memory_space<hbm>>
    %dma_wait3A_192 = tpu.memref_slice %arg7[%dma_wait3A_182] : memref<8x!tpu.dma_semaphore, #tpu.memory_space<semaphore_mem>> -> memref<1x!tpu.dma_semaphore, #tpu.memory_space<semaphore_mem>>
    %dma_wait3A_193 = tpu.memref_squeeze %dma_wait3A_192 : memref<1x!tpu.dma_semaphore, #tpu.memory_space<semaphore_mem>> -> memref<!tpu.dma_semaphore, #tpu.memory_space<semaphore_mem>>
    tpu.wait_indirect_dma semaphore(%dma_wait3A_193 : memref<!tpu.dma_semaphore, #tpu.memory_space<semaphore_mem>>) src(%dma_wait3A_191 : memref<100000x1024xf32, #tpu.memory_space<hbm>>) dst(%dma_wait3A_186 : memref<8x1024xf32, #tpu.memory_space<vmem>>)
    %add3A_194 = arith.constant 456 : i32
    %add3A_195 = arith.addi %multiple_of3A, %add3A_194 : i32
    %multiple_of3A_196 = tpu.assume_multiple %add3A_195, 8 : i32
    %dma_start3A_197 = arith.constant 1 : i32
    %dma_start3A_198 = arith.constant 1 : i32
    %dma_start3A_199 = arith.constant 0 : i32
    %dma_start3A_200 = arith.constant 0 : i32
    %dma_start3A_201 = tpu.memref_slice %arg6[%dma_start3A_197, %dma_start3A_199, %dma_start3A_200] : memref<8x8x1024xf32, #tpu.memory_space<vmem>> -> memref<1x8x1024xf32, #tpu.memory_space<vmem>>
    %dma_start3A_202 = tpu.memref_squeeze %dma_start3A_201 : memref<1x8x1024xf32, #tpu.memory_space<vmem>> -> memref<8x1024xf32, #tpu.memory_space<vmem>>
    %dma_start3A_203 = arith.constant 0 : i32
    %dma_start3A_204 = tpu.memref_slice %arg4[%select_n3A, %multiple_of3A_196, %dma_start3A_203] : memref<4x4096x1024xf32, #tpu.memory_space<hbm>> -> memref<1x8x1024xf32, #tpu.memory_space<hbm>>
    %dma_start3A_205 = tpu.memref_squeeze %dma_start3A_204 : memref<1x8x1024xf32, #tpu.memory_space<hbm>> -> memref<8x1024xf32, #tpu.memory_space<hbm>>
    %dma_start3A_206 = tpu.memref_slice %arg8[%dma_start3A_198] : memref<8x!tpu.dma_semaphore, #tpu.memory_space<semaphore_mem>> -> memref<1x!tpu.dma_semaphore, #tpu.memory_space<semaphore_mem>>
    %dma_start3A_207 = tpu.memref_squeeze %dma_start3A_206 : memref<1x!tpu.dma_semaphore, #tpu.memory_space<semaphore_mem>> -> memref<!tpu.dma_semaphore, #tpu.memory_space<semaphore_mem>>
    %dma_start3A_208 = arith.constant 0 : i32
    %dma_start3A_209 = tpu.memref_slice %arg4[%select_n3A, %multiple_of3A_196, %dma_start3A_208] : memref<4x4096x1024xf32, #tpu.memory_space<hbm>> -> memref<1x8x1024xf32, #tpu.memory_space<hbm>>
    %dma_start3A_210 = tpu.memref_squeeze %dma_start3A_209 : memref<1x8x1024xf32, #tpu.memory_space<hbm>> -> memref<8x1024xf32, #tpu.memory_space<hbm>>
    %dma_start3A_211 = arith.constant 0 : i32
    %dma_start3A_212 = arith.constant 0 : i32
    %dma_start3A_213 = tpu.memref_slice %arg6[%dma_start3A_197, %dma_start3A_211, %dma_start3A_212] : memref<8x8x1024xf32, #tpu.memory_space<vmem>> -> memref<1x8x1024xf32, #tpu.memory_space<vmem>>
    %dma_start3A_214 = tpu.memref_squeeze %dma_start3A_213 : memref<1x8x1024xf32, #tpu.memory_space<vmem>> -> memref<8x1024xf32, #tpu.memory_space<vmem>>
    tpu.enqueue_dma source(%dma_start3A_214 : memref<8x1024xf32, #tpu.memory_space<vmem>>) target(%dma_start3A_210 : memref<8x1024xf32, #tpu.memory_space<hbm>>) target_semaphore(%dma_start3A_207 : memref<!tpu.dma_semaphore, #tpu.memory_space<semaphore_mem>>)
    %dma_wait3A_215 = arith.constant 2 : i32
    %dma_wait3A_216 = arith.constant 2 : i32
    %dma_wait3A_217 = arith.constant 0 : i32
    %dma_wait3A_218 = arith.constant 0 : i32
    %dma_wait3A_219 = tpu.memref_slice %arg6[%dma_wait3A_215, %dma_wait3A_217, %dma_wait3A_218] : memref<8x8x1024xf32, #tpu.memory_space<vmem>> -> memref<1x8x1024xf32, #tpu.memory_space<vmem>>
    %dma_wait3A_220 = tpu.memref_squeeze %dma_wait3A_219 : memref<1x8x1024xf32, #tpu.memory_space<vmem>> -> memref<8x1024xf32, #tpu.memory_space<vmem>>
    %dma_wait3A_221 = arith.constant 0 : i32
    %dma_wait3A_222 = tpu.memref_slice %arg5[%dma_wait3A_221] : memref<512xi32, #tpu.memory_space<vmem>> -> memref<8xi32, #tpu.memory_space<vmem>>
    %dma_wait3A_223 = arith.constant 0 : i32
    %dma_wait3A_224 = arith.constant 0 : i32
    %dma_wait3A_225 = tpu.memref_slice %arg3[%dma_wait3A_223, %dma_wait3A_224] : memref<100000x1024xf32, #tpu.memory_space<hbm>> -> memref<100000x1024xf32, #tpu.memory_space<hbm>>
    %dma_wait3A_226 = tpu.memref_slice %arg7[%dma_wait3A_216] : memref<8x!tpu.dma_semaphore, #tpu.memory_space<semaphore_mem>> -> memref<1x!tpu.dma_semaphore, #tpu.memory_space<semaphore_mem>>
    %dma_wait3A_227 = tpu.memref_squeeze %dma_wait3A_226 : memref<1x!tpu.dma_semaphore, #tpu.memory_space<semaphore_mem>> -> memref<!tpu.dma_semaphore, #tpu.memory_space<semaphore_mem>>
    tpu.wait_indirect_dma semaphore(%dma_wait3A_227 : memref<!tpu.dma_semaphore, #tpu.memory_space<semaphore_mem>>) src(%dma_wait3A_225 : memref<100000x1024xf32, #tpu.memory_space<hbm>>) dst(%dma_wait3A_220 : memref<8x1024xf32, #tpu.memory_space<vmem>>)
    %add3A_228 = arith.constant 464 : i32
    %add3A_229 = arith.addi %multiple_of3A, %add3A_228 : i32
    %multiple_of3A_230 = tpu.assume_multiple %add3A_229, 8 : i32
    %dma_start3A_231 = arith.constant 2 : i32
    %dma_start3A_232 = arith.constant 2 : i32
    %dma_start3A_233 = arith.constant 0 : i32
    %dma_start3A_234 = arith.constant 0 : i32
    %dma_start3A_235 = tpu.memref_slice %arg6[%dma_start3A_231, %dma_start3A_233, %dma_start3A_234] : memref<8x8x1024xf32, #tpu.memory_space<vmem>> -> memref<1x8x1024xf32, #tpu.memory_space<vmem>>
    %dma_start3A_236 = tpu.memref_squeeze %dma_start3A_235 : memref<1x8x1024xf32, #tpu.memory_space<vmem>> -> memref<8x1024xf32, #tpu.memory_space<vmem>>
    %dma_start3A_237 = arith.constant 0 : i32
    %dma_start3A_238 = tpu.memref_slice %arg4[%select_n3A, %multiple_of3A_230, %dma_start3A_237] : memref<4x4096x1024xf32, #tpu.memory_space<hbm>> -> memref<1x8x1024xf32, #tpu.memory_space<hbm>>
    %dma_start3A_239 = tpu.memref_squeeze %dma_start3A_238 : memref<1x8x1024xf32, #tpu.memory_space<hbm>> -> memref<8x1024xf32, #tpu.memory_space<hbm>>
    %dma_start3A_240 = tpu.memref_slice %arg8[%dma_start3A_232] : memref<8x!tpu.dma_semaphore, #tpu.memory_space<semaphore_mem>> -> memref<1x!tpu.dma_semaphore, #tpu.memory_space<semaphore_mem>>
    %dma_start3A_241 = tpu.memref_squeeze %dma_start3A_240 : memref<1x!tpu.dma_semaphore, #tpu.memory_space<semaphore_mem>> -> memref<!tpu.dma_semaphore, #tpu.memory_space<semaphore_mem>>
    %dma_start3A_242 = arith.constant 0 : i32
    %dma_start3A_243 = tpu.memref_slice %arg4[%select_n3A, %multiple_of3A_230, %dma_start3A_242] : memref<4x4096x1024xf32, #tpu.memory_space<hbm>> -> memref<1x8x1024xf32, #tpu.memory_space<hbm>>
    %dma_start3A_244 = tpu.memref_squeeze %dma_start3A_243 : memref<1x8x1024xf32, #tpu.memory_space<hbm>> -> memref<8x1024xf32, #tpu.memory_space<hbm>>
    %dma_start3A_245 = arith.constant 0 : i32
    %dma_start3A_246 = arith.constant 0 : i32
    %dma_start3A_247 = tpu.memref_slice %arg6[%dma_start3A_231, %dma_start3A_245, %dma_start3A_246] : memref<8x8x1024xf32, #tpu.memory_space<vmem>> -> memref<1x8x1024xf32, #tpu.memory_space<vmem>>
    %dma_start3A_248 = tpu.memref_squeeze %dma_start3A_247 : memref<1x8x1024xf32, #tpu.memory_space<vmem>> -> memref<8x1024xf32, #tpu.memory_space<vmem>>
    tpu.enqueue_dma source(%dma_start3A_248 : memref<8x1024xf32, #tpu.memory_space<vmem>>) target(%dma_start3A_244 : memref<8x1024xf32, #tpu.memory_space<hbm>>) target_semaphore(%dma_start3A_241 : memref<!tpu.dma_semaphore, #tpu.memory_space<semaphore_mem>>)
    %dma_wait3A_249 = arith.constant 3 : i32
    %dma_wait3A_250 = arith.constant 3 : i32
    %dma_wait3A_251 = arith.constant 0 : i32
    %dma_wait3A_252 = arith.constant 0 : i32
    %dma_wait3A_253 = tpu.memref_slice %arg6[%dma_wait3A_249, %dma_wait3A_251, %dma_wait3A_252] : memref<8x8x1024xf32, #tpu.memory_space<vmem>> -> memref<1x8x1024xf32, #tpu.memory_space<vmem>>
    %dma_wait3A_254 = tpu.memref_squeeze %dma_wait3A_253 : memref<1x8x1024xf32, #tpu.memory_space<vmem>> -> memref<8x1024xf32, #tpu.memory_space<vmem>>
    %dma_wait3A_255 = arith.constant 0 : i32
    %dma_wait3A_256 = tpu.memref_slice %arg5[%dma_wait3A_255] : memref<512xi32, #tpu.memory_space<vmem>> -> memref<8xi32, #tpu.memory_space<vmem>>
    %dma_wait3A_257 = arith.constant 0 : i32
    %dma_wait3A_258 = arith.constant 0 : i32
    %dma_wait3A_259 = tpu.memref_slice %arg3[%dma_wait3A_257, %dma_wait3A_258] : memref<100000x1024xf32, #tpu.memory_space<hbm>> -> memref<100000x1024xf32, #tpu.memory_space<hbm>>
    %dma_wait3A_260 = tpu.memref_slice %arg7[%dma_wait3A_250] : memref<8x!tpu.dma_semaphore, #tpu.memory_space<semaphore_mem>> -> memref<1x!tpu.dma_semaphore, #tpu.memory_space<semaphore_mem>>
    %dma_wait3A_261 = tpu.memref_squeeze %dma_wait3A_260 : memref<1x!tpu.dma_semaphore, #tpu.memory_space<semaphore_mem>> -> memref<!tpu.dma_semaphore, #tpu.memory_space<semaphore_mem>>
    tpu.wait_indirect_dma semaphore(%dma_wait3A_261 : memref<!tpu.dma_semaphore, #tpu.memory_space<semaphore_mem>>) src(%dma_wait3A_259 : memref<100000x1024xf32, #tpu.memory_space<hbm>>) dst(%dma_wait3A_254 : memref<8x1024xf32, #tpu.memory_space<vmem>>)
    %add3A_262 = arith.constant 472 : i32
    %add3A_263 = arith.addi %multiple_of3A, %add3A_262 : i32
    %multiple_of3A_264 = tpu.assume_multiple %add3A_263, 8 : i32
    %dma_start3A_265 = arith.constant 3 : i32
    %dma_start3A_266 = arith.constant 3 : i32
    %dma_start3A_267 = arith.constant 0 : i32
    %dma_start3A_268 = arith.constant 0 : i32
    %dma_start3A_269 = tpu.memref_slice %arg6[%dma_start3A_265, %dma_start3A_267, %dma_start3A_268] : memref<8x8x1024xf32, #tpu.memory_space<vmem>> -> memref<1x8x1024xf32, #tpu.memory_space<vmem>>
    %dma_start3A_270 = tpu.memref_squeeze %dma_start3A_269 : memref<1x8x1024xf32, #tpu.memory_space<vmem>> -> memref<8x1024xf32, #tpu.memory_space<vmem>>
    %dma_start3A_271 = arith.constant 0 : i32
    %dma_start3A_272 = tpu.memref_slice %arg4[%select_n3A, %multiple_of3A_264, %dma_start3A_271] : memref<4x4096x1024xf32, #tpu.memory_space<hbm>> -> memref<1x8x1024xf32, #tpu.memory_space<hbm>>
    %dma_start3A_273 = tpu.memref_squeeze %dma_start3A_272 : memref<1x8x1024xf32, #tpu.memory_space<hbm>> -> memref<8x1024xf32, #tpu.memory_space<hbm>>
    %dma_start3A_274 = tpu.memref_slice %arg8[%dma_start3A_266] : memref<8x!tpu.dma_semaphore, #tpu.memory_space<semaphore_mem>> -> memref<1x!tpu.dma_semaphore, #tpu.memory_space<semaphore_mem>>
    %dma_start3A_275 = tpu.memref_squeeze %dma_start3A_274 : memref<1x!tpu.dma_semaphore, #tpu.memory_space<semaphore_mem>> -> memref<!tpu.dma_semaphore, #tpu.memory_space<semaphore_mem>>
    %dma_start3A_276 = arith.constant 0 : i32
    %dma_start3A_277 = tpu.memref_slice %arg4[%select_n3A, %multiple_of3A_264, %dma_start3A_276] : memref<4x4096x1024xf32, #tpu.memory_space<hbm>> -> memref<1x8x1024xf32, #tpu.memory_space<hbm>>
    %dma_start3A_278 = tpu.memref_squeeze %dma_start3A_277 : memref<1x8x1024xf32, #tpu.memory_space<hbm>> -> memref<8x1024xf32, #tpu.memory_space<hbm>>
    %dma_start3A_279 = arith.constant 0 : i32
    %dma_start3A_280 = arith.constant 0 : i32
    %dma_start3A_281 = tpu.memref_slice %arg6[%dma_start3A_265, %dma_start3A_279, %dma_start3A_280] : memref<8x8x1024xf32, #tpu.memory_space<vmem>> -> memref<1x8x1024xf32, #tpu.memory_space<vmem>>
    %dma_start3A_282 = tpu.memref_squeeze %dma_start3A_281 : memref<1x8x1024xf32, #tpu.memory_space<vmem>> -> memref<8x1024xf32, #tpu.memory_space<vmem>>
    tpu.enqueue_dma source(%dma_start3A_282 : memref<8x1024xf32, #tpu.memory_space<vmem>>) target(%dma_start3A_278 : memref<8x1024xf32, #tpu.memory_space<hbm>>) target_semaphore(%dma_start3A_275 : memref<!tpu.dma_semaphore, #tpu.memory_space<semaphore_mem>>)
    %dma_wait3A_283 = arith.constant 4 : i32
    %dma_wait3A_284 = arith.constant 4 : i32
    %dma_wait3A_285 = arith.constant 0 : i32
    %dma_wait3A_286 = arith.constant 0 : i32
    %dma_wait3A_287 = tpu.memref_slice %arg6[%dma_wait3A_283, %dma_wait3A_285, %dma_wait3A_286] : memref<8x8x1024xf32, #tpu.memory_space<vmem>> -> memref<1x8x1024xf32, #tpu.memory_space<vmem>>
    %dma_wait3A_288 = tpu.memref_squeeze %dma_wait3A_287 : memref<1x8x1024xf32, #tpu.memory_space<vmem>> -> memref<8x1024xf32, #tpu.memory_space<vmem>>
    %dma_wait3A_289 = arith.constant 0 : i32
    %dma_wait3A_290 = tpu.memref_slice %arg5[%dma_wait3A_289] : memref<512xi32, #tpu.memory_space<vmem>> -> memref<8xi32, #tpu.memory_space<vmem>>
    %dma_wait3A_291 = arith.constant 0 : i32
    %dma_wait3A_292 = arith.constant 0 : i32
    %dma_wait3A_293 = tpu.memref_slice %arg3[%dma_wait3A_291, %dma_wait3A_292] : memref<100000x1024xf32, #tpu.memory_space<hbm>> -> memref<100000x1024xf32, #tpu.memory_space<hbm>>
    %dma_wait3A_294 = tpu.memref_slice %arg7[%dma_wait3A_284] : memref<8x!tpu.dma_semaphore, #tpu.memory_space<semaphore_mem>> -> memref<1x!tpu.dma_semaphore, #tpu.memory_space<semaphore_mem>>
    %dma_wait3A_295 = tpu.memref_squeeze %dma_wait3A_294 : memref<1x!tpu.dma_semaphore, #tpu.memory_space<semaphore_mem>> -> memref<!tpu.dma_semaphore, #tpu.memory_space<semaphore_mem>>
    tpu.wait_indirect_dma semaphore(%dma_wait3A_295 : memref<!tpu.dma_semaphore, #tpu.memory_space<semaphore_mem>>) src(%dma_wait3A_293 : memref<100000x1024xf32, #tpu.memory_space<hbm>>) dst(%dma_wait3A_288 : memref<8x1024xf32, #tpu.memory_space<vmem>>)
    %add3A_296 = arith.constant 480 : i32
    %add3A_297 = arith.addi %multiple_of3A, %add3A_296 : i32
    %multiple_of3A_298 = tpu.assume_multiple %add3A_297, 8 : i32
    %dma_start3A_299 = arith.constant 4 : i32
    %dma_start3A_300 = arith.constant 4 : i32
    %dma_start3A_301 = arith.constant 0 : i32
    %dma_start3A_302 = arith.constant 0 : i32
    %dma_start3A_303 = tpu.memref_slice %arg6[%dma_start3A_299, %dma_start3A_301, %dma_start3A_302] : memref<8x8x1024xf32, #tpu.memory_space<vmem>> -> memref<1x8x1024xf32, #tpu.memory_space<vmem>>
    %dma_start3A_304 = tpu.memref_squeeze %dma_start3A_303 : memref<1x8x1024xf32, #tpu.memory_space<vmem>> -> memref<8x1024xf32, #tpu.memory_space<vmem>>
    %dma_start3A_305 = arith.constant 0 : i32
    %dma_start3A_306 = tpu.memref_slice %arg4[%select_n3A, %multiple_of3A_298, %dma_start3A_305] : memref<4x4096x1024xf32, #tpu.memory_space<hbm>> -> memref<1x8x1024xf32, #tpu.memory_space<hbm>>
    %dma_start3A_307 = tpu.memref_squeeze %dma_start3A_306 : memref<1x8x1024xf32, #tpu.memory_space<hbm>> -> memref<8x1024xf32, #tpu.memory_space<hbm>>
    %dma_start3A_308 = tpu.memref_slice %arg8[%dma_start3A_300] : memref<8x!tpu.dma_semaphore, #tpu.memory_space<semaphore_mem>> -> memref<1x!tpu.dma_semaphore, #tpu.memory_space<semaphore_mem>>
    %dma_start3A_309 = tpu.memref_squeeze %dma_start3A_308 : memref<1x!tpu.dma_semaphore, #tpu.memory_space<semaphore_mem>> -> memref<!tpu.dma_semaphore, #tpu.memory_space<semaphore_mem>>
    %dma_start3A_310 = arith.constant 0 : i32
    %dma_start3A_311 = tpu.memref_slice %arg4[%select_n3A, %multiple_of3A_298, %dma_start3A_310] : memref<4x4096x1024xf32, #tpu.memory_space<hbm>> -> memref<1x8x1024xf32, #tpu.memory_space<hbm>>
    %dma_start3A_312 = tpu.memref_squeeze %dma_start3A_311 : memref<1x8x1024xf32, #tpu.memory_space<hbm>> -> memref<8x1024xf32, #tpu.memory_space<hbm>>
    %dma_start3A_313 = arith.constant 0 : i32
    %dma_start3A_314 = arith.constant 0 : i32
    %dma_start3A_315 = tpu.memref_slice %arg6[%dma_start3A_299, %dma_start3A_313, %dma_start3A_314] : memref<8x8x1024xf32, #tpu.memory_space<vmem>> -> memref<1x8x1024xf32, #tpu.memory_space<vmem>>
    %dma_start3A_316 = tpu.memref_squeeze %dma_start3A_315 : memref<1x8x1024xf32, #tpu.memory_space<vmem>> -> memref<8x1024xf32, #tpu.memory_space<vmem>>
    tpu.enqueue_dma source(%dma_start3A_316 : memref<8x1024xf32, #tpu.memory_space<vmem>>) target(%dma_start3A_312 : memref<8x1024xf32, #tpu.memory_space<hbm>>) target_semaphore(%dma_start3A_309 : memref<!tpu.dma_semaphore, #tpu.memory_space<semaphore_mem>>)
    %dma_wait3A_317 = arith.constant 5 : i32
    %dma_wait3A_318 = arith.constant 5 : i32
    %dma_wait3A_319 = arith.constant 0 : i32
    %dma_wait3A_320 = arith.constant 0 : i32
    %dma_wait3A_321 = tpu.memref_slice %arg6[%dma_wait3A_317, %dma_wait3A_319, %dma_wait3A_320] : memref<8x8x1024xf32, #tpu.memory_space<vmem>> -> memref<1x8x1024xf32, #tpu.memory_space<vmem>>
    %dma_wait3A_322 = tpu.memref_squeeze %dma_wait3A_321 : memref<1x8x1024xf32, #tpu.memory_space<vmem>> -> memref<8x1024xf32, #tpu.memory_space<vmem>>
    %dma_wait3A_323 = arith.constant 0 : i32
    %dma_wait3A_324 = tpu.memref_slice %arg5[%dma_wait3A_323] : memref<512xi32, #tpu.memory_space<vmem>> -> memref<8xi32, #tpu.memory_space<vmem>>
    %dma_wait3A_325 = arith.constant 0 : i32
    %dma_wait3A_326 = arith.constant 0 : i32
    %dma_wait3A_327 = tpu.memref_slice %arg3[%dma_wait3A_325, %dma_wait3A_326] : memref<100000x1024xf32, #tpu.memory_space<hbm>> -> memref<100000x1024xf32, #tpu.memory_space<hbm>>
    %dma_wait3A_328 = tpu.memref_slice %arg7[%dma_wait3A_318] : memref<8x!tpu.dma_semaphore, #tpu.memory_space<semaphore_mem>> -> memref<1x!tpu.dma_semaphore, #tpu.memory_space<semaphore_mem>>
    %dma_wait3A_329 = tpu.memref_squeeze %dma_wait3A_328 : memref<1x!tpu.dma_semaphore, #tpu.memory_space<semaphore_mem>> -> memref<!tpu.dma_semaphore, #tpu.memory_space<semaphore_mem>>
    tpu.wait_indirect_dma semaphore(%dma_wait3A_329 : memref<!tpu.dma_semaphore, #tpu.memory_space<semaphore_mem>>) src(%dma_wait3A_327 : memref<100000x1024xf32, #tpu.memory_space<hbm>>) dst(%dma_wait3A_322 : memref<8x1024xf32, #tpu.memory_space<vmem>>)
    %add3A_330 = arith.constant 488 : i32
    %add3A_331 = arith.addi %multiple_of3A, %add3A_330 : i32
    %multiple_of3A_332 = tpu.assume_multiple %add3A_331, 8 : i32
    %dma_start3A_333 = arith.constant 5 : i32
    %dma_start3A_334 = arith.constant 5 : i32
    %dma_start3A_335 = arith.constant 0 : i32
    %dma_start3A_336 = arith.constant 0 : i32
    %dma_start3A_337 = tpu.memref_slice %arg6[%dma_start3A_333, %dma_start3A_335, %dma_start3A_336] : memref<8x8x1024xf32, #tpu.memory_space<vmem>> -> memref<1x8x1024xf32, #tpu.memory_space<vmem>>
    %dma_start3A_338 = tpu.memref_squeeze %dma_start3A_337 : memref<1x8x1024xf32, #tpu.memory_space<vmem>> -> memref<8x1024xf32, #tpu.memory_space<vmem>>
    %dma_start3A_339 = arith.constant 0 : i32
    %dma_start3A_340 = tpu.memref_slice %arg4[%select_n3A, %multiple_of3A_332, %dma_start3A_339] : memref<4x4096x1024xf32, #tpu.memory_space<hbm>> -> memref<1x8x1024xf32, #tpu.memory_space<hbm>>
    %dma_start3A_341 = tpu.memref_squeeze %dma_start3A_340 : memref<1x8x1024xf32, #tpu.memory_space<hbm>> -> memref<8x1024xf32, #tpu.memory_space<hbm>>
    %dma_start3A_342 = tpu.memref_slice %arg8[%dma_start3A_334] : memref<8x!tpu.dma_semaphore, #tpu.memory_space<semaphore_mem>> -> memref<1x!tpu.dma_semaphore, #tpu.memory_space<semaphore_mem>>
    %dma_start3A_343 = tpu.memref_squeeze %dma_start3A_342 : memref<1x!tpu.dma_semaphore, #tpu.memory_space<semaphore_mem>> -> memref<!tpu.dma_semaphore, #tpu.memory_space<semaphore_mem>>
    %dma_start3A_344 = arith.constant 0 : i32
    %dma_start3A_345 = tpu.memref_slice %arg4[%select_n3A, %multiple_of3A_332, %dma_start3A_344] : memref<4x4096x1024xf32, #tpu.memory_space<hbm>> -> memref<1x8x1024xf32, #tpu.memory_space<hbm>>
    %dma_start3A_346 = tpu.memref_squeeze %dma_start3A_345 : memref<1x8x1024xf32, #tpu.memory_space<hbm>> -> memref<8x1024xf32, #tpu.memory_space<hbm>>
    %dma_start3A_347 = arith.constant 0 : i32
    %dma_start3A_348 = arith.constant 0 : i32
    %dma_start3A_349 = tpu.memref_slice %arg6[%dma_start3A_333, %dma_start3A_347, %dma_start3A_348] : memref<8x8x1024xf32, #tpu.memory_space<vmem>> -> memref<1x8x1024xf32, #tpu.memory_space<vmem>>
    %dma_start3A_350 = tpu.memref_squeeze %dma_start3A_349 : memref<1x8x1024xf32, #tpu.memory_space<vmem>> -> memref<8x1024xf32, #tpu.memory_space<vmem>>
    tpu.enqueue_dma source(%dma_start3A_350 : memref<8x1024xf32, #tpu.memory_space<vmem>>) target(%dma_start3A_346 : memref<8x1024xf32, #tpu.memory_space<hbm>>) target_semaphore(%dma_start3A_343 : memref<!tpu.dma_semaphore, #tpu.memory_space<semaphore_mem>>)
    %dma_wait3A_351 = arith.constant 6 : i32
    %dma_wait3A_352 = arith.constant 6 : i32
    %dma_wait3A_353 = arith.constant 0 : i32
    %dma_wait3A_354 = arith.constant 0 : i32
    %dma_wait3A_355 = tpu.memref_slice %arg6[%dma_wait3A_351, %dma_wait3A_353, %dma_wait3A_354] : memref<8x8x1024xf32, #tpu.memory_space<vmem>> -> memref<1x8x1024xf32, #tpu.memory_space<vmem>>
    %dma_wait3A_356 = tpu.memref_squeeze %dma_wait3A_355 : memref<1x8x1024xf32, #tpu.memory_space<vmem>> -> memref<8x1024xf32, #tpu.memory_space<vmem>>
    %dma_wait3A_357 = arith.constant 0 : i32
    %dma_wait3A_358 = tpu.memref_slice %arg5[%dma_wait3A_357] : memref<512xi32, #tpu.memory_space<vmem>> -> memref<8xi32, #tpu.memory_space<vmem>>
    %dma_wait3A_359 = arith.constant 0 : i32
    %dma_wait3A_360 = arith.constant 0 : i32
    %dma_wait3A_361 = tpu.memref_slice %arg3[%dma_wait3A_359, %dma_wait3A_360] : memref<100000x1024xf32, #tpu.memory_space<hbm>> -> memref<100000x1024xf32, #tpu.memory_space<hbm>>
    %dma_wait3A_362 = tpu.memref_slice %arg7[%dma_wait3A_352] : memref<8x!tpu.dma_semaphore, #tpu.memory_space<semaphore_mem>> -> memref<1x!tpu.dma_semaphore, #tpu.memory_space<semaphore_mem>>
    %dma_wait3A_363 = tpu.memref_squeeze %dma_wait3A_362 : memref<1x!tpu.dma_semaphore, #tpu.memory_space<semaphore_mem>> -> memref<!tpu.dma_semaphore, #tpu.memory_space<semaphore_mem>>
    tpu.wait_indirect_dma semaphore(%dma_wait3A_363 : memref<!tpu.dma_semaphore, #tpu.memory_space<semaphore_mem>>) src(%dma_wait3A_361 : memref<100000x1024xf32, #tpu.memory_space<hbm>>) dst(%dma_wait3A_356 : memref<8x1024xf32, #tpu.memory_space<vmem>>)
    %add3A_364 = arith.constant 496 : i32
    %add3A_365 = arith.addi %multiple_of3A, %add3A_364 : i32
    %multiple_of3A_366 = tpu.assume_multiple %add3A_365, 8 : i32
    %dma_start3A_367 = arith.constant 6 : i32
    %dma_start3A_368 = arith.constant 6 : i32
    %dma_start3A_369 = arith.constant 0 : i32
    %dma_start3A_370 = arith.constant 0 : i32
    %dma_start3A_371 = tpu.memref_slice %arg6[%dma_start3A_367, %dma_start3A_369, %dma_start3A_370] : memref<8x8x1024xf32, #tpu.memory_space<vmem>> -> memref<1x8x1024xf32, #tpu.memory_space<vmem>>
    %dma_start3A_372 = tpu.memref_squeeze %dma_start3A_371 : memref<1x8x1024xf32, #tpu.memory_space<vmem>> -> memref<8x1024xf32, #tpu.memory_space<vmem>>
    %dma_start3A_373 = arith.constant 0 : i32
    %dma_start3A_374 = tpu.memref_slice %arg4[%select_n3A, %multiple_of3A_366, %dma_start3A_373] : memref<4x4096x1024xf32, #tpu.memory_space<hbm>> -> memref<1x8x1024xf32, #tpu.memory_space<hbm>>
    %dma_start3A_375 = tpu.memref_squeeze %dma_start3A_374 : memref<1x8x1024xf32, #tpu.memory_space<hbm>> -> memref<8x1024xf32, #tpu.memory_space<hbm>>
    %dma_start3A_376 = tpu.memref_slice %arg8[%dma_start3A_368] : memref<8x!tpu.dma_semaphore, #tpu.memory_space<semaphore_mem>> -> memref<1x!tpu.dma_semaphore, #tpu.memory_space<semaphore_mem>>
    %dma_start3A_377 = tpu.memref_squeeze %dma_start3A_376 : memref<1x!tpu.dma_semaphore, #tpu.memory_space<semaphore_mem>> -> memref<!tpu.dma_semaphore, #tpu.memory_space<semaphore_mem>>
    %dma_start3A_378 = arith.constant 0 : i32
    %dma_start3A_379 = tpu.memref_slice %arg4[%select_n3A, %multiple_of3A_366, %dma_start3A_378] : memref<4x4096x1024xf32, #tpu.memory_space<hbm>> -> memref<1x8x1024xf32, #tpu.memory_space<hbm>>
    %dma_start3A_380 = tpu.memref_squeeze %dma_start3A_379 : memref<1x8x1024xf32, #tpu.memory_space<hbm>> -> memref<8x1024xf32, #tpu.memory_space<hbm>>
    %dma_start3A_381 = arith.constant 0 : i32
    %dma_start3A_382 = arith.constant 0 : i32
    %dma_start3A_383 = tpu.memref_slice %arg6[%dma_start3A_367, %dma_start3A_381, %dma_start3A_382] : memref<8x8x1024xf32, #tpu.memory_space<vmem>> -> memref<1x8x1024xf32, #tpu.memory_space<vmem>>
    %dma_start3A_384 = tpu.memref_squeeze %dma_start3A_383 : memref<1x8x1024xf32, #tpu.memory_space<vmem>> -> memref<8x1024xf32, #tpu.memory_space<vmem>>
    tpu.enqueue_dma source(%dma_start3A_384 : memref<8x1024xf32, #tpu.memory_space<vmem>>) target(%dma_start3A_380 : memref<8x1024xf32, #tpu.memory_space<hbm>>) target_semaphore(%dma_start3A_377 : memref<!tpu.dma_semaphore, #tpu.memory_space<semaphore_mem>>)
    %dma_wait3A_385 = arith.constant 7 : i32
    %dma_wait3A_386 = arith.constant 7 : i32
    %dma_wait3A_387 = arith.constant 0 : i32
    %dma_wait3A_388 = arith.constant 0 : i32
    %dma_wait3A_389 = tpu.memref_slice %arg6[%dma_wait3A_385, %dma_wait3A_387, %dma_wait3A_388] : memref<8x8x1024xf32, #tpu.memory_space<vmem>> -> memref<1x8x1024xf32, #tpu.memory_space<vmem>>
    %dma_wait3A_390 = tpu.memref_squeeze %dma_wait3A_389 : memref<1x8x1024xf32, #tpu.memory_space<vmem>> -> memref<8x1024xf32, #tpu.memory_space<vmem>>
    %dma_wait3A_391 = arith.constant 0 : i32
    %dma_wait3A_392 = tpu.memref_slice %arg5[%dma_wait3A_391] : memref<512xi32, #tpu.memory_space<vmem>> -> memref<8xi32, #tpu.memory_space<vmem>>
    %dma_wait3A_393 = arith.constant 0 : i32
    %dma_wait3A_394 = arith.constant 0 : i32
    %dma_wait3A_395 = tpu.memref_slice %arg3[%dma_wait3A_393, %dma_wait3A_394] : memref<100000x1024xf32, #tpu.memory_space<hbm>> -> memref<100000x1024xf32, #tpu.memory_space<hbm>>
    %dma_wait3A_396 = tpu.memref_slice %arg7[%dma_wait3A_386] : memref<8x!tpu.dma_semaphore, #tpu.memory_space<semaphore_mem>> -> memref<1x!tpu.dma_semaphore, #tpu.memory_space<semaphore_mem>>
    %dma_wait3A_397 = tpu.memref_squeeze %dma_wait3A_396 : memref<1x!tpu.dma_semaphore, #tpu.memory_space<semaphore_mem>> -> memref<!tpu.dma_semaphore, #tpu.memory_space<semaphore_mem>>
    tpu.wait_indirect_dma semaphore(%dma_wait3A_397 : memref<!tpu.dma_semaphore, #tpu.memory_space<semaphore_mem>>) src(%dma_wait3A_395 : memref<100000x1024xf32, #tpu.memory_space<hbm>>) dst(%dma_wait3A_390 : memref<8x1024xf32, #tpu.memory_space<vmem>>)
    %add3A_398 = arith.constant 504 : i32
    %add3A_399 = arith.addi %multiple_of3A, %add3A_398 : i32
    %multiple_of3A_400 = tpu.assume_multiple %add3A_399, 8 : i32
    %dma_start3A_401 = arith.constant 7 : i32
    %dma_start3A_402 = arith.constant 7 : i32
    %dma_start3A_403 = arith.constant 0 : i32
    %dma_start3A_404 = arith.constant 0 : i32
    %dma_start3A_405 = tpu.memref_slice %arg6[%dma_start3A_401, %dma_start3A_403, %dma_start3A_404] : memref<8x8x1024xf32, #tpu.memory_space<vmem>> -> memref<1x8x1024xf32, #tpu.memory_space<vmem>>
    %dma_start3A_406 = tpu.memref_squeeze %dma_start3A_405 : memref<1x8x1024xf32, #tpu.memory_space<vmem>> -> memref<8x1024xf32, #tpu.memory_space<vmem>>
    %dma_start3A_407 = arith.constant 0 : i32
    %dma_start3A_408 = tpu.memref_slice %arg4[%select_n3A, %multiple_of3A_400, %dma_start3A_407] : memref<4x4096x1024xf32, #tpu.memory_space<hbm>> -> memref<1x8x1024xf32, #tpu.memory_space<hbm>>
    %dma_start3A_409 = tpu.memref_squeeze %dma_start3A_408 : memref<1x8x1024xf32, #tpu.memory_space<hbm>> -> memref<8x1024xf32, #tpu.memory_space<hbm>>
    %dma_start3A_410 = tpu.memref_slice %arg8[%dma_start3A_402] : memref<8x!tpu.dma_semaphore, #tpu.memory_space<semaphore_mem>> -> memref<1x!tpu.dma_semaphore, #tpu.memory_space<semaphore_mem>>
    %dma_start3A_411 = tpu.memref_squeeze %dma_start3A_410 : memref<1x!tpu.dma_semaphore, #tpu.memory_space<semaphore_mem>> -> memref<!tpu.dma_semaphore, #tpu.memory_space<semaphore_mem>>
    %dma_start3A_412 = arith.constant 0 : i32
    %dma_start3A_413 = tpu.memref_slice %arg4[%select_n3A, %multiple_of3A_400, %dma_start3A_412] : memref<4x4096x1024xf32, #tpu.memory_space<hbm>> -> memref<1x8x1024xf32, #tpu.memory_space<hbm>>
    %dma_start3A_414 = tpu.memref_squeeze %dma_start3A_413 : memref<1x8x1024xf32, #tpu.memory_space<hbm>> -> memref<8x1024xf32, #tpu.memory_space<hbm>>
    %dma_start3A_415 = arith.constant 0 : i32
    %dma_start3A_416 = arith.constant 0 : i32
    %dma_start3A_417 = tpu.memref_slice %arg6[%dma_start3A_401, %dma_start3A_415, %dma_start3A_416] : memref<8x8x1024xf32, #tpu.memory_space<vmem>> -> memref<1x8x1024xf32, #tpu.memory_space<vmem>>
    %dma_start3A_418 = tpu.memref_squeeze %dma_start3A_417 : memref<1x8x1024xf32, #tpu.memory_space<vmem>> -> memref<8x1024xf32, #tpu.memory_space<vmem>>
    tpu.enqueue_dma source(%dma_start3A_418 : memref<8x1024xf32, #tpu.memory_space<vmem>>) target(%dma_start3A_414 : memref<8x1024xf32, #tpu.memory_space<hbm>>) target_semaphore(%dma_start3A_411 : memref<!tpu.dma_semaphore, #tpu.memory_space<semaphore_mem>>)
    %dma_wait3A_419 = arith.constant 0 : i32
    %dma_wait3A_420 = arith.constant 0 : i32
    %dma_wait3A_421 = arith.constant 0 : i32
    %dma_wait3A_422 = arith.constant 0 : i32
    %dma_wait3A_423 = tpu.memref_slice %arg6[%dma_wait3A_419, %dma_wait3A_421, %dma_wait3A_422] : memref<8x8x1024xf32, #tpu.memory_space<vmem>> -> memref<1x8x1024xf32, #tpu.memory_space<vmem>>
    %dma_wait3A_424 = tpu.memref_squeeze %dma_wait3A_423 : memref<1x8x1024xf32, #tpu.memory_space<vmem>> -> memref<8x1024xf32, #tpu.memory_space<vmem>>
    %dma_wait3A_425 = arith.constant 0 : i32
    %dma_wait3A_426 = tpu.memref_slice %arg4[%select_n3A, %multiple_of3A, %dma_wait3A_425] : memref<4x4096x1024xf32, #tpu.memory_space<hbm>> -> memref<1x8x1024xf32, #tpu.memory_space<hbm>>
    %dma_wait3A_427 = tpu.memref_squeeze %dma_wait3A_426 : memref<1x8x1024xf32, #tpu.memory_space<hbm>> -> memref<8x1024xf32, #tpu.memory_space<hbm>>
    %dma_wait3A_428 = tpu.memref_slice %arg8[%dma_wait3A_420] : memref<8x!tpu.dma_semaphore, #tpu.memory_space<semaphore_mem>> -> memref<1x!tpu.dma_semaphore, #tpu.memory_space<semaphore_mem>>
    %dma_wait3A_429 = tpu.memref_squeeze %dma_wait3A_428 : memref<1x!tpu.dma_semaphore, #tpu.memory_space<semaphore_mem>> -> memref<!tpu.dma_semaphore, #tpu.memory_space<semaphore_mem>>
    %dma_wait3A_430 = arith.constant 0 : i32
    %dma_wait3A_431 = tpu.memref_slice %arg4[%select_n3A, %multiple_of3A, %dma_wait3A_430] : memref<4x4096x1024xf32, #tpu.memory_space<hbm>> -> memref<1x8x1024xf32, #tpu.memory_space<hbm>>
    %dma_wait3A_432 = tpu.memref_squeeze %dma_wait3A_431 : memref<1x8x1024xf32, #tpu.memory_space<hbm>> -> memref<8x1024xf32, #tpu.memory_space<hbm>>
    %dma_wait3A_433 = arith.constant 0 : i32
    %dma_wait3A_434 = arith.constant 0 : i32
    %dma_wait3A_435 = tpu.memref_slice %arg6[%dma_wait3A_419, %dma_wait3A_433, %dma_wait3A_434] : memref<8x8x1024xf32, #tpu.memory_space<vmem>> -> memref<1x8x1024xf32, #tpu.memory_space<vmem>>
    %dma_wait3A_436 = tpu.memref_squeeze %dma_wait3A_435 : memref<1x8x1024xf32, #tpu.memory_space<vmem>> -> memref<8x1024xf32, #tpu.memory_space<vmem>>
    tpu.wait_dma2 semaphore(%dma_wait3A_429 : memref<!tpu.dma_semaphore, #tpu.memory_space<semaphore_mem>>) src(%dma_wait3A_436 : memref<8x1024xf32, #tpu.memory_space<vmem>>) dst(%dma_wait3A_432 : memref<8x1024xf32, #tpu.memory_space<hbm>>)
    %dma_wait3A_437 = arith.constant 1 : i32
    %dma_wait3A_438 = arith.constant 1 : i32
    %dma_wait3A_439 = arith.constant 0 : i32
    %dma_wait3A_440 = arith.constant 0 : i32
    %dma_wait3A_441 = tpu.memref_slice %arg6[%dma_wait3A_437, %dma_wait3A_439, %dma_wait3A_440] : memref<8x8x1024xf32, #tpu.memory_space<vmem>> -> memref<1x8x1024xf32, #tpu.memory_space<vmem>>
    %dma_wait3A_442 = tpu.memref_squeeze %dma_wait3A_441 : memref<1x8x1024xf32, #tpu.memory_space<vmem>> -> memref<8x1024xf32, #tpu.memory_space<vmem>>
    %dma_wait3A_443 = arith.constant 0 : i32
    %dma_wait3A_444 = tpu.memref_slice %arg4[%select_n3A, %multiple_of3A, %dma_wait3A_443] : memref<4x4096x1024xf32, #tpu.memory_space<hbm>> -> memref<1x8x1024xf32, #tpu.memory_space<hbm>>
    %dma_wait3A_445 = tpu.memref_squeeze %dma_wait3A_444 : memref<1x8x1024xf32, #tpu.memory_space<hbm>> -> memref<8x1024xf32, #tpu.memory_space<hbm>>
    %dma_wait3A_446 = tpu.memref_slice %arg8[%dma_wait3A_438] : memref<8x!tpu.dma_semaphore, #tpu.memory_space<semaphore_mem>> -> memref<1x!tpu.dma_semaphore, #tpu.memory_space<semaphore_mem>>
    %dma_wait3A_447 = tpu.memref_squeeze %dma_wait3A_446 : memref<1x!tpu.dma_semaphore, #tpu.memory_space<semaphore_mem>> -> memref<!tpu.dma_semaphore, #tpu.memory_space<semaphore_mem>>
    %dma_wait3A_448 = arith.constant 0 : i32
    %dma_wait3A_449 = tpu.memref_slice %arg4[%select_n3A, %multiple_of3A, %dma_wait3A_448] : memref<4x4096x1024xf32, #tpu.memory_space<hbm>> -> memref<1x8x1024xf32, #tpu.memory_space<hbm>>
    %dma_wait3A_450 = tpu.memref_squeeze %dma_wait3A_449 : memref<1x8x1024xf32, #tpu.memory_space<hbm>> -> memref<8x1024xf32, #tpu.memory_space<hbm>>
    %dma_wait3A_451 = arith.constant 0 : i32
    %dma_wait3A_452 = arith.constant 0 : i32
    %dma_wait3A_453 = tpu.memref_slice %arg6[%dma_wait3A_437, %dma_wait3A_451, %dma_wait3A_452] : memref<8x8x1024xf32, #tpu.memory_space<vmem>> -> memref<1x8x1024xf32, #tpu.memory_space<vmem>>
    %dma_wait3A_454 = tpu.memref_squeeze %dma_wait3A_453 : memref<1x8x1024xf32, #tpu.memory_space<vmem>> -> memref<8x1024xf32, #tpu.memory_space<vmem>>
    tpu.wait_dma2 semaphore(%dma_wait3A_447 : memref<!tpu.dma_semaphore, #tpu.memory_space<semaphore_mem>>) src(%dma_wait3A_454 : memref<8x1024xf32, #tpu.memory_space<vmem>>) dst(%dma_wait3A_450 : memref<8x1024xf32, #tpu.memory_space<hbm>>)
    %dma_wait3A_455 = arith.constant 2 : i32
    %dma_wait3A_456 = arith.constant 2 : i32
    %dma_wait3A_457 = arith.constant 0 : i32
    %dma_wait3A_458 = arith.constant 0 : i32
    %dma_wait3A_459 = tpu.memref_slice %arg6[%dma_wait3A_455, %dma_wait3A_457, %dma_wait3A_458] : memref<8x8x1024xf32, #tpu.memory_space<vmem>> -> memref<1x8x1024xf32, #tpu.memory_space<vmem>>
    %dma_wait3A_460 = tpu.memref_squeeze %dma_wait3A_459 : memref<1x8x1024xf32, #tpu.memory_space<vmem>> -> memref<8x1024xf32, #tpu.memory_space<vmem>>
    %dma_wait3A_461 = arith.constant 0 : i32
    %dma_wait3A_462 = tpu.memref_slice %arg4[%select_n3A, %multiple_of3A, %dma_wait3A_461] : memref<4x4096x1024xf32, #tpu.memory_space<hbm>> -> memref<1x8x1024xf32, #tpu.memory_space<hbm>>
    %dma_wait3A_463 = tpu.memref_squeeze %dma_wait3A_462 : memref<1x8x1024xf32, #tpu.memory_space<hbm>> -> memref<8x1024xf32, #tpu.memory_space<hbm>>
    %dma_wait3A_464 = tpu.memref_slice %arg8[%dma_wait3A_456] : memref<8x!tpu.dma_semaphore, #tpu.memory_space<semaphore_mem>> -> memref<1x!tpu.dma_semaphore, #tpu.memory_space<semaphore_mem>>
    %dma_wait3A_465 = tpu.memref_squeeze %dma_wait3A_464 : memref<1x!tpu.dma_semaphore, #tpu.memory_space<semaphore_mem>> -> memref<!tpu.dma_semaphore, #tpu.memory_space<semaphore_mem>>
    %dma_wait3A_466 = arith.constant 0 : i32
    %dma_wait3A_467 = tpu.memref_slice %arg4[%select_n3A, %multiple_of3A, %dma_wait3A_466] : memref<4x4096x1024xf32, #tpu.memory_space<hbm>> -> memref<1x8x1024xf32, #tpu.memory_space<hbm>>
    %dma_wait3A_468 = tpu.memref_squeeze %dma_wait3A_467 : memref<1x8x1024xf32, #tpu.memory_space<hbm>> -> memref<8x1024xf32, #tpu.memory_space<hbm>>
    %dma_wait3A_469 = arith.constant 0 : i32
    %dma_wait3A_470 = arith.constant 0 : i32
    %dma_wait3A_471 = tpu.memref_slice %arg6[%dma_wait3A_455, %dma_wait3A_469, %dma_wait3A_470] : memref<8x8x1024xf32, #tpu.memory_space<vmem>> -> memref<1x8x1024xf32, #tpu.memory_space<vmem>>
    %dma_wait3A_472 = tpu.memref_squeeze %dma_wait3A_471 : memref<1x8x1024xf32, #tpu.memory_space<vmem>> -> memref<8x1024xf32, #tpu.memory_space<vmem>>
    tpu.wait_dma2 semaphore(%dma_wait3A_465 : memref<!tpu.dma_semaphore, #tpu.memory_space<semaphore_mem>>) src(%dma_wait3A_472 : memref<8x1024xf32, #tpu.memory_space<vmem>>) dst(%dma_wait3A_468 : memref<8x1024xf32, #tpu.memory_space<hbm>>)
    %dma_wait3A_473 = arith.constant 3 : i32
    %dma_wait3A_474 = arith.constant 3 : i32
    %dma_wait3A_475 = arith.constant 0 : i32
    %dma_wait3A_476 = arith.constant 0 : i32
    %dma_wait3A_477 = tpu.memref_slice %arg6[%dma_wait3A_473, %dma_wait3A_475, %dma_wait3A_476] : memref<8x8x1024xf32, #tpu.memory_space<vmem>> -> memref<1x8x1024xf32, #tpu.memory_space<vmem>>
    %dma_wait3A_478 = tpu.memref_squeeze %dma_wait3A_477 : memref<1x8x1024xf32, #tpu.memory_space<vmem>> -> memref<8x1024xf32, #tpu.memory_space<vmem>>
    %dma_wait3A_479 = arith.constant 0 : i32
    %dma_wait3A_480 = tpu.memref_slice %arg4[%select_n3A, %multiple_of3A, %dma_wait3A_479] : memref<4x4096x1024xf32, #tpu.memory_space<hbm>> -> memref<1x8x1024xf32, #tpu.memory_space<hbm>>
    %dma_wait3A_481 = tpu.memref_squeeze %dma_wait3A_480 : memref<1x8x1024xf32, #tpu.memory_space<hbm>> -> memref<8x1024xf32, #tpu.memory_space<hbm>>
    %dma_wait3A_482 = tpu.memref_slice %arg8[%dma_wait3A_474] : memref<8x!tpu.dma_semaphore, #tpu.memory_space<semaphore_mem>> -> memref<1x!tpu.dma_semaphore, #tpu.memory_space<semaphore_mem>>
    %dma_wait3A_483 = tpu.memref_squeeze %dma_wait3A_482 : memref<1x!tpu.dma_semaphore, #tpu.memory_space<semaphore_mem>> -> memref<!tpu.dma_semaphore, #tpu.memory_space<semaphore_mem>>
    %dma_wait3A_484 = arith.constant 0 : i32
    %dma_wait3A_485 = tpu.memref_slice %arg4[%select_n3A, %multiple_of3A, %dma_wait3A_484] : memref<4x4096x1024xf32, #tpu.memory_space<hbm>> -> memref<1x8x1024xf32, #tpu.memory_space<hbm>>
    %dma_wait3A_486 = tpu.memref_squeeze %dma_wait3A_485 : memref<1x8x1024xf32, #tpu.memory_space<hbm>> -> memref<8x1024xf32, #tpu.memory_space<hbm>>
    %dma_wait3A_487 = arith.constant 0 : i32
    %dma_wait3A_488 = arith.constant 0 : i32
    %dma_wait3A_489 = tpu.memref_slice %arg6[%dma_wait3A_473, %dma_wait3A_487, %dma_wait3A_488] : memref<8x8x1024xf32, #tpu.memory_space<vmem>> -> memref<1x8x1024xf32, #tpu.memory_space<vmem>>
    %dma_wait3A_490 = tpu.memref_squeeze %dma_wait3A_489 : memref<1x8x1024xf32, #tpu.memory_space<vmem>> -> memref<8x1024xf32, #tpu.memory_space<vmem>>
    tpu.wait_dma2 semaphore(%dma_wait3A_483 : memref<!tpu.dma_semaphore, #tpu.memory_space<semaphore_mem>>) src(%dma_wait3A_490 : memref<8x1024xf32, #tpu.memory_space<vmem>>) dst(%dma_wait3A_486 : memref<8x1024xf32, #tpu.memory_space<hbm>>)
    %dma_wait3A_491 = arith.constant 4 : i32
    %dma_wait3A_492 = arith.constant 4 : i32
    %dma_wait3A_493 = arith.constant 0 : i32
    %dma_wait3A_494 = arith.constant 0 : i32
    %dma_wait3A_495 = tpu.memref_slice %arg6[%dma_wait3A_491, %dma_wait3A_493, %dma_wait3A_494] : memref<8x8x1024xf32, #tpu.memory_space<vmem>> -> memref<1x8x1024xf32, #tpu.memory_space<vmem>>
    %dma_wait3A_496 = tpu.memref_squeeze %dma_wait3A_495 : memref<1x8x1024xf32, #tpu.memory_space<vmem>> -> memref<8x1024xf32, #tpu.memory_space<vmem>>
    %dma_wait3A_497 = arith.constant 0 : i32
    %dma_wait3A_498 = tpu.memref_slice %arg4[%select_n3A, %multiple_of3A, %dma_wait3A_497] : memref<4x4096x1024xf32, #tpu.memory_space<hbm>> -> memref<1x8x1024xf32, #tpu.memory_space<hbm>>
    %dma_wait3A_499 = tpu.memref_squeeze %dma_wait3A_498 : memref<1x8x1024xf32, #tpu.memory_space<hbm>> -> memref<8x1024xf32, #tpu.memory_space<hbm>>
    %dma_wait3A_500 = tpu.memref_slice %arg8[%dma_wait3A_492] : memref<8x!tpu.dma_semaphore, #tpu.memory_space<semaphore_mem>> -> memref<1x!tpu.dma_semaphore, #tpu.memory_space<semaphore_mem>>
    %dma_wait3A_501 = tpu.memref_squeeze %dma_wait3A_500 : memref<1x!tpu.dma_semaphore, #tpu.memory_space<semaphore_mem>> -> memref<!tpu.dma_semaphore, #tpu.memory_space<semaphore_mem>>
    %dma_wait3A_502 = arith.constant 0 : i32
    %dma_wait3A_503 = tpu.memref_slice %arg4[%select_n3A, %multiple_of3A, %dma_wait3A_502] : memref<4x4096x1024xf32, #tpu.memory_space<hbm>> -> memref<1x8x1024xf32, #tpu.memory_space<hbm>>
    %dma_wait3A_504 = tpu.memref_squeeze %dma_wait3A_503 : memref<1x8x1024xf32, #tpu.memory_space<hbm>> -> memref<8x1024xf32, #tpu.memory_space<hbm>>
    %dma_wait3A_505 = arith.constant 0 : i32
    %dma_wait3A_506 = arith.constant 0 : i32
    %dma_wait3A_507 = tpu.memref_slice %arg6[%dma_wait3A_491, %dma_wait3A_505, %dma_wait3A_506] : memref<8x8x1024xf32, #tpu.memory_space<vmem>> -> memref<1x8x1024xf32, #tpu.memory_space<vmem>>
    %dma_wait3A_508 = tpu.memref_squeeze %dma_wait3A_507 : memref<1x8x1024xf32, #tpu.memory_space<vmem>> -> memref<8x1024xf32, #tpu.memory_space<vmem>>
    tpu.wait_dma2 semaphore(%dma_wait3A_501 : memref<!tpu.dma_semaphore, #tpu.memory_space<semaphore_mem>>) src(%dma_wait3A_508 : memref<8x1024xf32, #tpu.memory_space<vmem>>) dst(%dma_wait3A_504 : memref<8x1024xf32, #tpu.memory_space<hbm>>)
    %dma_wait3A_509 = arith.constant 5 : i32
    %dma_wait3A_510 = arith.constant 5 : i32
    %dma_wait3A_511 = arith.constant 0 : i32
    %dma_wait3A_512 = arith.constant 0 : i32
    %dma_wait3A_513 = tpu.memref_slice %arg6[%dma_wait3A_509, %dma_wait3A_511, %dma_wait3A_512] : memref<8x8x1024xf32, #tpu.memory_space<vmem>> -> memref<1x8x1024xf32, #tpu.memory_space<vmem>>
    %dma_wait3A_514 = tpu.memref_squeeze %dma_wait3A_513 : memref<1x8x1024xf32, #tpu.memory_space<vmem>> -> memref<8x1024xf32, #tpu.memory_space<vmem>>
    %dma_wait3A_515 = arith.constant 0 : i32
    %dma_wait3A_516 = tpu.memref_slice %arg4[%select_n3A, %multiple_of3A, %dma_wait3A_515] : memref<4x4096x1024xf32, #tpu.memory_space<hbm>> -> memref<1x8x1024xf32, #tpu.memory_space<hbm>>
    %dma_wait3A_517 = tpu.memref_squeeze %dma_wait3A_516 : memref<1x8x1024xf32, #tpu.memory_space<hbm>> -> memref<8x1024xf32, #tpu.memory_space<hbm>>
    %dma_wait3A_518 = tpu.memref_slice %arg8[%dma_wait3A_510] : memref<8x!tpu.dma_semaphore, #tpu.memory_space<semaphore_mem>> -> memref<1x!tpu.dma_semaphore, #tpu.memory_space<semaphore_mem>>
    %dma_wait3A_519 = tpu.memref_squeeze %dma_wait3A_518 : memref<1x!tpu.dma_semaphore, #tpu.memory_space<semaphore_mem>> -> memref<!tpu.dma_semaphore, #tpu.memory_space<semaphore_mem>>
    %dma_wait3A_520 = arith.constant 0 : i32
    %dma_wait3A_521 = tpu.memref_slice %arg4[%select_n3A, %multiple_of3A, %dma_wait3A_520] : memref<4x4096x1024xf32, #tpu.memory_space<hbm>> -> memref<1x8x1024xf32, #tpu.memory_space<hbm>>
    %dma_wait3A_522 = tpu.memref_squeeze %dma_wait3A_521 : memref<1x8x1024xf32, #tpu.memory_space<hbm>> -> memref<8x1024xf32, #tpu.memory_space<hbm>>
    %dma_wait3A_523 = arith.constant 0 : i32
    %dma_wait3A_524 = arith.constant 0 : i32
    %dma_wait3A_525 = tpu.memref_slice %arg6[%dma_wait3A_509, %dma_wait3A_523, %dma_wait3A_524] : memref<8x8x1024xf32, #tpu.memory_space<vmem>> -> memref<1x8x1024xf32, #tpu.memory_space<vmem>>
    %dma_wait3A_526 = tpu.memref_squeeze %dma_wait3A_525 : memref<1x8x1024xf32, #tpu.memory_space<vmem>> -> memref<8x1024xf32, #tpu.memory_space<vmem>>
    tpu.wait_dma2 semaphore(%dma_wait3A_519 : memref<!tpu.dma_semaphore, #tpu.memory_space<semaphore_mem>>) src(%dma_wait3A_526 : memref<8x1024xf32, #tpu.memory_space<vmem>>) dst(%dma_wait3A_522 : memref<8x1024xf32, #tpu.memory_space<hbm>>)
    %dma_wait3A_527 = arith.constant 6 : i32
    %dma_wait3A_528 = arith.constant 6 : i32
    %dma_wait3A_529 = arith.constant 0 : i32
    %dma_wait3A_530 = arith.constant 0 : i32
    %dma_wait3A_531 = tpu.memref_slice %arg6[%dma_wait3A_527, %dma_wait3A_529, %dma_wait3A_530] : memref<8x8x1024xf32, #tpu.memory_space<vmem>> -> memref<1x8x1024xf32, #tpu.memory_space<vmem>>
    %dma_wait3A_532 = tpu.memref_squeeze %dma_wait3A_531 : memref<1x8x1024xf32, #tpu.memory_space<vmem>> -> memref<8x1024xf32, #tpu.memory_space<vmem>>
    %dma_wait3A_533 = arith.constant 0 : i32
    %dma_wait3A_534 = tpu.memref_slice %arg4[%select_n3A, %multiple_of3A, %dma_wait3A_533] : memref<4x4096x1024xf32, #tpu.memory_space<hbm>> -> memref<1x8x1024xf32, #tpu.memory_space<hbm>>
    %dma_wait3A_535 = tpu.memref_squeeze %dma_wait3A_534 : memref<1x8x1024xf32, #tpu.memory_space<hbm>> -> memref<8x1024xf32, #tpu.memory_space<hbm>>
    %dma_wait3A_536 = tpu.memref_slice %arg8[%dma_wait3A_528] : memref<8x!tpu.dma_semaphore, #tpu.memory_space<semaphore_mem>> -> memref<1x!tpu.dma_semaphore, #tpu.memory_space<semaphore_mem>>
    %dma_wait3A_537 = tpu.memref_squeeze %dma_wait3A_536 : memref<1x!tpu.dma_semaphore, #tpu.memory_space<semaphore_mem>> -> memref<!tpu.dma_semaphore, #tpu.memory_space<semaphore_mem>>
    %dma_wait3A_538 = arith.constant 0 : i32
    %dma_wait3A_539 = tpu.memref_slice %arg4[%select_n3A, %multiple_of3A, %dma_wait3A_538] : memref<4x4096x1024xf32, #tpu.memory_space<hbm>> -> memref<1x8x1024xf32, #tpu.memory_space<hbm>>
    %dma_wait3A_540 = tpu.memref_squeeze %dma_wait3A_539 : memref<1x8x1024xf32, #tpu.memory_space<hbm>> -> memref<8x1024xf32, #tpu.memory_space<hbm>>
    %dma_wait3A_541 = arith.constant 0 : i32
    %dma_wait3A_542 = arith.constant 0 : i32
    %dma_wait3A_543 = tpu.memref_slice %arg6[%dma_wait3A_527, %dma_wait3A_541, %dma_wait3A_542] : memref<8x8x1024xf32, #tpu.memory_space<vmem>> -> memref<1x8x1024xf32, #tpu.memory_space<vmem>>
    %dma_wait3A_544 = tpu.memref_squeeze %dma_wait3A_543 : memref<1x8x1024xf32, #tpu.memory_space<vmem>> -> memref<8x1024xf32, #tpu.memory_space<vmem>>
    tpu.wait_dma2 semaphore(%dma_wait3A_537 : memref<!tpu.dma_semaphore, #tpu.memory_space<semaphore_mem>>) src(%dma_wait3A_544 : memref<8x1024xf32, #tpu.memory_space<vmem>>) dst(%dma_wait3A_540 : memref<8x1024xf32, #tpu.memory_space<hbm>>)
    %dma_wait3A_545 = arith.constant 7 : i32
    %dma_wait3A_546 = arith.constant 7 : i32
    %dma_wait3A_547 = arith.constant 0 : i32
    %dma_wait3A_548 = arith.constant 0 : i32
    %dma_wait3A_549 = tpu.memref_slice %arg6[%dma_wait3A_545, %dma_wait3A_547, %dma_wait3A_548] : memref<8x8x1024xf32, #tpu.memory_space<vmem>> -> memref<1x8x1024xf32, #tpu.memory_space<vmem>>
    %dma_wait3A_550 = tpu.memref_squeeze %dma_wait3A_549 : memref<1x8x1024xf32, #tpu.memory_space<vmem>> -> memref<8x1024xf32, #tpu.memory_space<vmem>>
    %dma_wait3A_551 = arith.constant 0 : i32
    %dma_wait3A_552 = tpu.memref_slice %arg4[%select_n3A, %multiple_of3A, %dma_wait3A_551] : memref<4x4096x1024xf32, #tpu.memory_space<hbm>> -> memref<1x8x1024xf32, #tpu.memory_space<hbm>>
    %dma_wait3A_553 = tpu.memref_squeeze %dma_wait3A_552 : memref<1x8x1024xf32, #tpu.memory_space<hbm>> -> memref<8x1024xf32, #tpu.memory_space<hbm>>
    %dma_wait3A_554 = tpu.memref_slice %arg8[%dma_wait3A_546] : memref<8x!tpu.dma_semaphore, #tpu.memory_space<semaphore_mem>> -> memref<1x!tpu.dma_semaphore, #tpu.memory_space<semaphore_mem>>
    %dma_wait3A_555 = tpu.memref_squeeze %dma_wait3A_554 : memref<1x!tpu.dma_semaphore, #tpu.memory_space<semaphore_mem>> -> memref<!tpu.dma_semaphore, #tpu.memory_space<semaphore_mem>>
    %dma_wait3A_556 = arith.constant 0 : i32
    %dma_wait3A_557 = tpu.memref_slice %arg4[%select_n3A, %multiple_of3A, %dma_wait3A_556] : memref<4x4096x1024xf32, #tpu.memory_space<hbm>> -> memref<1x8x1024xf32, #tpu.memory_space<hbm>>
    %dma_wait3A_558 = tpu.memref_squeeze %dma_wait3A_557 : memref<1x8x1024xf32, #tpu.memory_space<hbm>> -> memref<8x1024xf32, #tpu.memory_space<hbm>>
    %dma_wait3A_559 = arith.constant 0 : i32
    %dma_wait3A_560 = arith.constant 0 : i32
    %dma_wait3A_561 = tpu.memref_slice %arg6[%dma_wait3A_545, %dma_wait3A_559, %dma_wait3A_560] : memref<8x8x1024xf32, #tpu.memory_space<vmem>> -> memref<1x8x1024xf32, #tpu.memory_space<vmem>>
    %dma_wait3A_562 = tpu.memref_squeeze %dma_wait3A_561 : memref<1x8x1024xf32, #tpu.memory_space<vmem>> -> memref<8x1024xf32, #tpu.memory_space<vmem>>
    tpu.wait_dma2 semaphore(%dma_wait3A_555 : memref<!tpu.dma_semaphore, #tpu.memory_space<semaphore_mem>>) src(%dma_wait3A_562 : memref<8x1024xf32, #tpu.memory_space<vmem>>) dst(%dma_wait3A_558 : memref<8x1024xf32, #tpu.memory_space<hbm>>)
    return
  }
}

</mosaic_0001>

<sc_bundles>
// kernel: _emb.3.cloned.1.call-start
scs
__scs_entry_jumppad:
0x0: {  	(pc) =	sbr.rel $0x88, $3  }
0x1: {  	(tag) =	ssettag $0x0;
	lr =	simm.s32 $0x1  }
0x2: {  	[smem:$0x3F9F] =	sst lr;
	_ =	strace $0xD0000000  }
0x3: {  	_ = 	snop  }
0x4: {  	_ = 	snop  }
0x5: {  	_ = 	snop  }
0x6: {  	_ = 	snop  }
0x7: {  	_ = 	snop  }
__scs_overlays_trampoline_lowered:
0x8: {  	[smem:$0x3FAE] =	sst s0  }
0x9: {  	[smem:$0x3FAF] =	sst s1  }
0xa: {  	[smem:$0x3FB0] =	sst s2  }
0xb: {  	[smem:$0x3FB1] =	sst s3  }
0xc: {  	[smem:$0x3FB2] =	sst s4  }
0xd: {  	[smem:$0x3FB3] =	sst s5  }
0xe: {  	[smem:$0x3FB4] =	sst s6  }
0xf: {  	[smem:$0x3FB5] =	sst s7  }
0x10: {  	[smem:$0x3FB6] =	sst s8  }
0x11: {  	[smem:$0x3FB7] =	sst s9;
	s0 =	simm.s32 @!p0 $0x0  }
0x12: {  	s1 =	sld [smem:$0x3F9D];
	s0 =	simm.s32 @p0 $0x1  }
0x13: {  	[smem:$0x3FB8] =	sst s0;
	s0 =	simm.s32 @!p1 $0x0  }
0x14: {  	s2 =	sld [smem:$0x3F9C];
	s0 =	simm.s32 @p1 $0x1  }
0x15: {  	[smem:$0x3FB9] =	sst s0;
	s0 =	simm.s32 @!p2 $0x0  }
0x16: {  	s3 =	sld [smem:$0x3FDB];
	s0 =	simm.s32 @p2 $0x1  }
0x17: {  	s4 =	simm.s32 $0x1BF5;
	[smem:$0x3FBB] =	sst s0  }
0x18: {  	s0 =	sld [smem:$0x3F9E];
	_ =	swait.ge [sflag:s4], $0x0  }
0x19: {  	s7 =	sld [smem:$0x3F9F]  }
0x1a: {  	s8 =	sadd.s32 $0xFFFFE003, lr  }
0x1b: {  	s9 =	sadd.s32 $0xFFFFFEF7, lr;
	s5 =	simm.s32 $0xFFFFFFFF;
	p2 =	slt.u32 s8, $0xFFFFF086  }
0x1c: {  	p1 =	slt.u32 s9, $0xF7A;
	s5 =	simm.s32 @!p2 $0x0  }
0x1d: {  	s5 =	simm.s32 @p1 $0x1;
	p0 =	seq.s32 s7, s2  }
0x1e: {  	s7 =	smul.u32 @!p0 $0xF7A, s2;
	p2 =	seq.s32 @!p0 s5, $0x0  }
0x1f: {  	s9 =	smul.u32 $0xF7A, s1;
	s8 =	simm.s32 @!p0 $0x1BF5;
	p2 =	por !p2, p0  }
0x20: {  	[sflag:s8] =	ssyncset.s32 @!p0 $0xFFFFF086;
	s6 =	sadd.s32 @!p0 s3, s7;
	s7 =	simm.s32 @!p0 $0x108  }
0x21: {  	s3 =	sadd.s32 s3, s9;
	s6 =	sadd.s32 @!p0 $0x88, s6;
	s7 =	simm.s32 @p2 $0x1082  }
0x22: {  	[simem:s7], [sflag:s8] =	dma.local @!p0 [hbm:s6], $0xF7A  }
0x23: {  	s9 =	sor.u32 $0xD0000000, s2;
	s6 =	simm.s32 $0x108;
	_ =	swait.ge @!p0 [sflag:s8], $0x0  }
0x24: {  	s3 =	sadd.s32 $0x88, s3;
	s6 =	simm.s32 @!p1 $0x1082;
	[sflag:s4] =	ssyncset.s32 $0xFFFFF086  }
0x25: {  	[simem:s6], [sflag:s4] =	dma.local [hbm:s3], $0xF7A  }
0x26: {  	[smem:$0x3F9F] =	sst s1;
	(tag) =	ssettag s2;
	_ =	strace s9  }
0x27: {  	s1 =	sld [smem:$0x3FAF]  }
0x28: {  	s2 =	sld [smem:$0x3FB0]  }
0x29: {  	s4 =	sld [smem:$0x3FB2]  }
0x2a: {  	p0 =	seq.s32 s5, $0x0;
	s5 =	sld [smem:$0x3FB3]  }
0x2b: {  	s6 =	sld [smem:$0x3FB4]  }
0x2c: {  	s7 =	sld [smem:$0x3FB5]  }
0x2d: {  	s3 =	simm.s32 $0x108;
	s8 =	sld [smem:$0x3FB6]  }
0x2e: {  	s3 =	simm.s32 @!p0 $0x1082;
	s9 =	sld [smem:$0x3FB7]  }
0x2f: {  	lr =	sadd.s32 s0, s3;
	s0 =	sld [smem:$0x3FAE]  }
0x30: {  	s3 =	sld [smem:$0x3FB1]  }
0x31: {  	[smem:$0x3FBA] =	sst s10  }
0x32: {  	s10 =	sld [smem:$0x3FB8];
	_ =	sdelay $0x3  }
0x33: {  	p0 =	seq.s32 s10, $0x1;
	s10 =	sld [smem:$0x3FBA];
	_ =	sdelay $0x3  }
0x34: {  	[smem:$0x3FBA] =	sst s10  }
0x35: {  	s10 =	sld [smem:$0x3FB9];
	_ =	sdelay $0x3  }
0x36: {  	p1 =	seq.s32 s10, $0x1;
	s10 =	sld [smem:$0x3FBA];
	_ =	sdelay $0x3  }
0x37: {  	[smem:$0x3FBA] =	sst s10  }
0x38: {  	s10 =	sld [smem:$0x3FBB]  }
0x39: {  	_ = 	snop;
	(pc) =	sbr.ind lr, $3  }
0x3a: {  	_ = 	snop  }
0x3b: {  	_ = 	snop  }
0x3c: {  	p2 =	seq.s32 s10, $0x1;
	s10 =	sld [smem:$0x3FBA]  }
0x3d: {  	_ =	shalt  }
0x3e: {  	_ =	shalt  }
0x3f: {  	_ =	shalt  }
0x40: {  	_ =	shalt  }
0x41: {  	_ =	shalt  }
0x42: {  	_ =	shalt  }
0x43: {  	_ =	shalt  }
0x44: {  	_ =	shalt  }
0x45: {  	_ =	shalt  }
0x46: {  	_ =	shalt  }
0x47: {  	_ =	shalt  }
0x48: {  	_ =	shalt  }
0x49: {  	_ =	shalt  }
0x4a: {  	_ =	shalt  }
0x4b: {  	_ =	shalt  }
0x4c: {  	_ =	shalt  }
0x4d: {  	_ =	shalt  }
0x4e: {  	_ =	shalt  }
0x4f: {  	_ =	shalt  }
0x50: {  	_ =	shalt  }
0x51: {  	_ =	shalt  }
0x52: {  	_ =	shalt  }
0x53: {  	_ =	shalt  }
0x54: {  	_ =	shalt  }
0x55: {  	_ =	shalt  }
0x56: {  	_ =	shalt  }
0x57: {  	_ =	shalt  }
0x58: {  	_ =	shalt  }
0x59: {  	_ =	shalt  }
0x5a: {  	_ =	shalt  }
0x5b: {  	_ =	shalt  }
0x5c: {  	_ =	shalt  }
0x5d: {  	_ =	shalt  }
0x5e: {  	_ =	shalt  }
0x5f: {  	_ =	shalt  }
0x60: {  	_ =	shalt  }
0x61: {  	_ =	shalt  }
0x62: {  	_ =	shalt  }
0x63: {  	_ =	shalt  }
0x64: {  	_ =	shalt  }
0x65: {  	_ =	shalt  }
0x66: {  	_ =	shalt  }
0x67: {  	_ =	shalt  }
0x68: {  	_ =	shalt  }
0x69: {  	_ =	shalt  }
0x6a: {  	_ =	shalt  }
0x6b: {  	_ =	shalt  }
0x6c: {  	_ =	shalt  }
0x6d: {  	_ =	shalt  }
0x6e: {  	_ =	shalt  }
0x6f: {  	_ =	shalt  }
0x70: {  	_ =	shalt  }
0x71: {  	_ =	shalt  }
0x72: {  	_ =	shalt  }
0x73: {  	_ =	shalt  }
0x74: {  	_ =	shalt  }
0x75: {  	_ =	shalt  }
0x76: {  	_ =	shalt  }
0x77: {  	_ =	shalt  }
0x78: {  	_ =	shalt  }
0x79: {  	_ =	shalt  }
0x7a: {  	_ =	shalt  }
0x7b: {  	_ =	shalt  }
0x7c: {  	_ =	shalt  }
0x7d: {  	_ =	shalt  }
0x7e: {  	_ =	shalt  }
0x7f: {  	_ =	shalt  }
0x80: {  	_ =	shalt  }
0x81: {  	_ =	shalt  }
0x82: {  	_ =	shalt  }
0x83: {  	_ =	shalt  }
0x84: {  	_ =	shalt  }
0x85: {  	_ =	shalt  }
0x86: {  	_ =	shalt  }
0x87: {  	_ =	shalt  }
.Lfunc_end0:
.L_simem_size_0:
called_computation_lowered:
.L_overlay_start_0:
0x88: {  	s2 =	sld [smem:$0x3FD9]  }
0x89: {  	s3 =	sld [smem:$0x3FFE];
	_ =	sdelay $0x1  }
0x8a: {  	s1 =	srdreg.scid  }
0x8b: {  	s0 =	sand.u32 $0x1, s1  }
0x8c: {  	s18 =	sshll.u32 s0, $0xA;
	s2 =	sadd.s32 s3, s2  }
0x8d: {  	s2 =	sadd.s32 s2, s18  }
0x8e: {  	[smem:$0x3FC6] =	sst s2  }
0x8f: {  	_ = 	snop  }
0x90: {  	s2 =	sld [smem:$0x3FC9]  }
0x91: {  	s19 =	sld [smem:$0x3FC8]  }
0x92: {  	s4 =	sld [smem:$0x3FD0];
	(tm) =	ssettm $0x1  }
0x93: {  	s5 =	sld [smem:$0x3FFB];
	_ =	sdelay $0x3  }
0x94: {  	_ =	strace s5  }
0x95: {  	s5 =	sld [smem:$0x3FFC];
	_ =	sdelay $0x3  }
0x96: {  	_ =	strace s5  }
0x97: {  	s5 =	sld [smem:$0x3FFD];
	_ =	sdelay $0x3  }
0x98: {  	_ =	strace s5  }
0x99: {  	_ =	strace $0x8FFFFFFF  }
0x9a: {  	s20 =	sld [smem:$0x3FDB];
	_ =	sdelay $0x1  }
0x9b: {  	s6 =	simm.s32 $_scs_section_size  }
0x9c: {  	s7 =	simm.s32 $_size__tile_overlayer_lowered;
	s8 =	simm.s32 $_tile_overlayer_lowered  }
0x9d: {  	s23 =	simm.s32 $0x1BFF;
	s22 =	sshll.u32 s8, $0x1;
	s5 =	sadd.s32 s6, s20  }
0x9e: {  	s9 =	simm.s32 $0x0;
	s21 =	sshll.u32 s7, $0x1;
	s7 =	sadd.s32 s22, s5  }
0x9f: {  	[timem:s9], [sflag:s23] =	dma.local [hbm:s7], s21  }
0xa0: {  	_ =	swait.ge [sflag:s23], s21  }
0xa1: {  	s6 =	ssub.s32 $0x0, s21;
	[sflag:s23] =	ssyncset.done $0x0  }
0xa2: {  	[sflag:s23] =	ssyncadd.s32 s6;
	_ =	sdelay $0x1  }
0xa3: {  	s24 =	simm.s32 $0x1B8B  }
0xa4: {  	_ =	swait.ge [sflag:s24], $0x1  }
0xa5: {  	[sflag:s24] =	ssyncset.done $0x0  }
0xa6: {  	s25 =	simm.s32 $0x1B8E;
	[sflag:s24] =	ssyncadd.s32 $0xFFFFFFFF  }
0xa7: {  	s26 =	simm.s32 $execute0_lowered;
	[smem:$0x3FD2] =	sst s25  }
0xa8: {  	s6 =	sshll.u32 s26, $0x1;
	_ =	strace $0x80000046;
	[dreg:$0x1] =	wrdreg $0xFFFFFFFF  }
0xa9: {  	s28 =	simm.s32 $_size_execute0_lowered;
	s5 =	sadd.s32 s5, s6;
	[dreg:$0x0] =	wrdreg $0x0  }
0xaa: {  	s6 =	sshll.u32 s28, $0x1;
	[dreg:$0x2] =	wrdreg s5  }
0xab: {  	[dreg:$0x3] =	wrdreg s6  }
0xac: {  	[dreg:$0x4] =	wrdreg $0xC0  }
0xad: {  	_ =	task [dreg:s9], $0x5FFFF  }
0xae: {  	[dreg:$0x1] =	wrdreg $0xFFFFFFFF  }
0xaf: {  	[dreg:$0x0] =	wrdreg $0x60  }
0xb0: {  	[dreg:$0x2] =	wrdreg s2  }
0xb1: {  	[dreg:$0x3] =	wrdreg s19  }
0xb2: {  	[dreg:$0x4] =	wrdreg s4  }
0xb3: {  	[dreg:$0x5] =	wrdreg $0x9  }
0xb4: {  	_ =	task.clear_ibuf [dreg:s9], $0x6FFFF;
	_ =	strace $0x90000046  }
0xb5: {  	s29 =	simm.s32 $0x9;
	_ =	strace $0x80000048  }
0xb6: {  	_ =	swait.ge [sflag:s29], $0x1  }
0xb7: {  	[sflag:s29] =	ssyncadd.s32 $0xFFFFFFFF  }
0xb8: {  	_ =	strace $0x90000048  }
0xb9: {  	_ =	sfence  }
0xba: {  	s30 =	sld [smem:$0x0];
	_ =	sdelay $0x2  }
0xbb: {  	s31 =	sshll.u32 s1, $0xD;
	s1 =	sshrl.u32 s1, $0x2  }
0xbc: {  	s3 =	sand.u32 $0x4000, s31;
	s1 =	sadd.s32 s1, s30  }
0xbd: {  	s0 =	sor.u32 s3, s0;
	s1 =	sshll.u32 s1, $0x11  }
0xbe: {  	s0 =	sor.u32 s1, s0  }
0xbf: {  	s0 =	sadd.s32 $0x8F2B, s0  }
0xc0: {  	[sflag:s0] =	ssyncadd.remote.s32 $0x1  }
0xc1: {  	_ =	sfence.sel $0xFFFF  }
0xc2: {  	[dreg:$0x0] =	wrdreg $0xFFFFFFFF;
	(pc) =	sbr.abs _section_cstart, $3  }
0xc3: {  	[dreg:$0x1] =	wrdreg $0xFFFFFFFF  }
0xc4: {  	_ =	task.clear_ibuf [dreg:s9], $0x2FFFF;
	_ =	strace $0x9FFFFFFF  }
0xc5: {  	(tm) =	ssettm $0x7FFFFFFF  }
tec
execute0_lowered:
.L_overlay_start_1:
0x0: {  	(tag) =	ssettag $0x1  }
0x1: {  	s2 =	rddreg [dreg:$0x0]  }
0x2: {  	s1 =	rddreg [dreg:$0x1]  }
0x3: {  	s0 =	rddreg [dreg:$0x2]  }
0x4: {  	s3 =	simm.s32 $0x0;
	s4 =	srdreg.scid;
	s10 =	stileid.u32  }
0x5: {  	s28 =	simm.s32 $0x1A00;
	s29 =	simm.s32 $0x8200;
	s30 =	simm.s32 $0x8A00  }
0x6: {  	s31 =	simm.s32 $0xA200;
	[smem:$0x7FF] =	sst s3;
	s4 =	sand.u32 $0x1, s4  }
0x7: {  	s5 =	sshll.u32 s10, $0x1;
	s7 =	sshrl.u32 s10, $0x2;
	s19 =	sand.u32 $0x3, s10  }
0x8: {  	_ =	strace $0x80000047;
	s6 =	ssub.s32 $0x2, s4;
	s5 =	sand.u32 $0x6, s5  }
0x9: {  	s9 =	sshll.u32 s7, $0x4;
	s17 =	sshll.u32 s7, $0x16;
	s8 =	sshrl.u32 s6, $0x1  }
0xa: {  	s5 =	sor.u32 s4, s5;
	s2 =	sadd.s32 s2, s9;
	s9 =	sshll.u32 s19, $0x14  }
0xb: {  	s4 =	sshll.u32 s4, $0x13;
	s8 =	ssub.s32 s6, s8;
	s18 =	sshll.u32 s5, $0x13  }
0xc: {  	s16 =	sshll.u32 s5, $0x8;
	s5 =	sadd.s32 $0x100, s1;
	s7 =	sor.u32 s17, s18  }
0xd: {  	s6 =	sadd.s32 $0x200, s1;
	s2 =	sadd.s32 s16, s2;
	s7 =	sshrl.u32 s7, $0x3  }
0xe: {  	[dreg:$0xc] =	wrdreg s2;
	s2 =	sor.u32 s9, s17;
	s10 =	sadd.s32 s7, s0  }
0xf: {  	s7 =	sadd.s32 $0x300, s1;
	s2 =	sor.u32 s4, s2;
	s20 =	sadd.s32 $0xE000, s10  }
0x10: {  	s21 =	sadd.s32 $0xE400, s10;
	s22 =	sadd.s32 $0xE800, s10;
	[dreg:$0xd] =	wrdreg s20  }
0x11: {  	s23 =	sor.u32 $0xE000, s2;
	s24 =	sadd.s32 $0xEC00, s10;
	[dreg:$0xe] =	wrdreg s21  }
0x12: {  	s25 =	sadd.s32 $0xF000, s10;
	s26 =	sadd.s32 $0xF400, s10;
	[dreg:$0xf] =	wrdreg s22  }
0x13: {  	s11 =	sor.u32 $0xC000, s2;
	s13 =	sor.u32 $0xA000, s2;
	[dreg:$0x10] =	wrdreg s24  }
0x14: {  	s17 =	sor.u32 $0x6000, s2;
	s19 =	sor.u32 $0x4000, s2;
	[dreg:$0x11] =	wrdreg s25  }
0x15: {  	s4 =	sshrl.u32 s23, $0x3;
	[dreg:$0x12] =	wrdreg s26;
	s12 =	sshrl.u32 s11, $0x3  }
0x16: {  	s9 =	sshrl.u32 s13, $0x3;
	s11 =	sor.u32 $0x8000, s2;
	s18 =	sshrl.u32 s17, $0x3  }
0x17: {  	s20 =	sor.u32 $0x2000, s2;
	s2 =	sshrl.u32 s2, $0x3;
	s24 =	sadd.s32 $0xF800, s10  }
0x18: {  	s25 =	sadd.s32 $0xFC00, s10;
	s26 =	smax.u32 s8, $0x1;
	s8 =	simm.s32 $0x2200  }
0x19: {  	s17 =	simm.s32 $0xC200;
	s10 =	simm.s32 $0xEA00;
	s4 =	sadd.s32 s4, s0  }
0x1a: {  	s14 =	sadd.s32 s9, s0;
	s15 =	sshrl.u32 s11, $0x3;
	[dreg:$0x13] =	wrdreg s24  }
0x1b: {  	s9 =	sshrl.u32 s19, $0x3;
	s22 =	sshrl.u32 s20, $0x3;
	[dreg:$0x14] =	wrdreg s25  }
0x1c: {  	[dreg:$0x15] =	wrdreg s26;
	s11 =	simm.s32 $0x0;
	s19 =	simm.s32 $0x3  }
0x1d: {  	s24 =	simm.s32 $0x5;
	s20 =	simm.s32 $0x6;
	[dreg:$0x4] =	wrdreg s4  }
0x1e: {  	s4 =	sadd.s32 s12, s0;
	[dreg:$0x6] =	wrdreg s14;
	s16 =	sadd.s32 s15, s0  }
0x1f: {  	s21 =	sadd.s32 s9, s0;
	s23 =	sadd.s32 s22, s0;
	[dreg:$0x5] =	wrdreg s4  }
0x20: {  	s12 =	simm.s32 $0x4A00;
	s22 =	simm.s32 $0x6A00;
	[dreg:$0x7] =	wrdreg s16  }
0x21: {  	s9 =	simm.s32 $0xE200;
	s14 =	simm.s32 $0x2;
	[dreg:$0x9] =	wrdreg s21  }
0x22: {  	s15 =	simm.s32 $0x7;
	s4 =	sadd.s32 s18, s0;
	[dreg:$0xa] =	wrdreg s23  }
0x23: {  	v0 =	vlaneseq.u32;
	s0 =	sadd.s32 s2, s0;
	s18 =	simm.s32 $0x4200;
	s16 =	simm.s32 $0x6200  }
0x24: {  	v1 =	vshrl.u32 v0, $0x3;
	s2 =	simm.s32 $0xAA00;
	s21 =	simm.s32 $0x4;
	[dreg:$0x8] =	wrdreg s4  }
0x25: {  	vm0 =	vmmov $0xffff;
	v0 =	vand.u32 $0x7, v0;
	v1 =	vmul.u32 $0x8, v1;
	[dreg:$0xb] =	wrdreg s0;
	s0 =	simm.s32 $0x1200;
	s4 =	simm.s32 $0xCA00  }
.LBB2_1:
0x26: {  	s23 =	rddreg [dreg:$0xc];
	s25 =	simm.s32 $0x80;
	s26 =	simm.s32 $0x200  }
0x27: {  	[tilespmem:s3], [sflag:$0x11] =	stream.strided.gather [hbm4b:s23+s25], $0x200, s26, s25, $0x38;
	[tilespmem:$0x10200] =	vst v63  }
0x28: {  	[dreg:$0x16] =	wrdreg s11;
	s26 =	simm.s32 $0x11  }
0x29: {  	_ =	swait.ge [sflag:s26], $0x200  }
0x2a: {  	[sflag:s26] =	ssyncset.done $0x0  }
0x2b: {  	[sflag:s26] =	ssyncadd.s32 $0xFFFFFE00  }
0x2c: {  	v2 =	vld.msk [tilespmem:$0x0], $0xff;
	_ =	sdelay $0x4  }
0x2d: {  	v3 =	vshll.u32 v2, $0x3  }
0x2e: {  	v2 =	vand.u32 $0x7, v2;
	v3 =	vand.u32 $0xFFFFFFC0, v3  }
0x2f: {  	v2 =	vor.u32 v2, v3  }
0x30: {  	v2 =	vperm.xlane v2, v0;
	_ =	sdelay $0x1  }
0x31: {  	v2 =	vadd.s32 v1, v2;
	_ =	sdelay $0x3  }
0x32: {  	s25 =	simm.s32 $0x200  }
0x33: {  	[tilespmem:s25], [sflag:$0x1] =	stream.indirect_vreg.gather [hbm4b:s1+s3], $0x80, v2, vm0, $0xb8;
	[tilespmem:$0x10200] =	vst v63  }
0x34: {  	s26 =	simm.s32 $0xA00  }
0x35: {  	[tilespmem:s26], [sflag:$0x1] =	stream.indirect_vreg.gather [hbm4b:s5+s3], $0x80, v2, vm0, $0xb8;
	[tilespmem:$0x10200] =	vst v63  }
0x36: {  	_ = 	snop  }
0x37: {  	[tilespmem:s0], [sflag:$0x1] =	stream.indirect_vreg.gather [hbm4b:s6+s3], $0x80, v2, vm0, $0xb8;
	[tilespmem:$0x10200] =	vst v63  }
0x38: {  	_ = 	snop  }
0x39: {  	[tilespmem:s28], [sflag:$0x1] =	stream.indirect_vreg.gather [hbm4b:s7+s3], $0x80, v2, vm0, $0xb8;
	[tilespmem:$0x10200] =	vst v63  }
0x3a: {  	v2 =	vld.msk [tilespmem:$0x8], $0xff;
	_ =	sdelay $0x4  }
0x3b: {  	v3 =	vshll.u32 v2, $0x3  }
0x3c: {  	v2 =	vand.u32 $0x7, v2;
	v3 =	vand.u32 $0xFFFFFFC0, v3  }
0x3d: {  	v2 =	vor.u32 v2, v3  }
0x3e: {  	v2 =	vperm.xlane v2, v0;
	_ =	sdelay $0x1  }
0x3f: {  	v2 =	vadd.s32 v1, v2;
	_ =	sdelay $0x4  }
0x40: {  	[tilespmem:s8], [sflag:$0x2] =	stream.indirect_vreg.gather [hbm4b:s1+s3], $0x80, v2, vm0, $0xb8;
	[tilespmem:$0x10200] =	vst v63  }
0x41: {  	s25 =	simm.s32 $0x2A00  }
0x42: {  	[tilespmem:s25], [sflag:$0x2] =	stream.indirect_vreg.gather [hbm4b:s5+s3], $0x80, v2, vm0, $0xb8;
	[tilespmem:$0x10200] =	vst v63  }
0x43: {  	s26 =	simm.s32 $0x3200  }
0x44: {  	[tilespmem:s26], [sflag:$0x2] =	stream.indirect_vreg.gather [hbm4b:s6+s3], $0x80, v2, vm0, $0xb8;
	[tilespmem:$0x10200] =	vst v63  }
0x45: {  	s28 =	simm.s32 $0x3A00  }
0x46: {  	[tilespmem:s28], [sflag:$0x2] =	stream.indirect_vreg.gather [hbm4b:s7+s3], $0x80, v2, vm0, $0xb8;
	[tilespmem:$0x10200] =	vst v63  }
0x47: {  	v2 =	vld.msk [tilespmem:$0x10], $0xff;
	_ =	sdelay $0x4  }
0x48: {  	v3 =	vshll.u32 v2, $0x3  }
0x49: {  	v2 =	vand.u32 $0x7, v2;
	v3 =	vand.u32 $0xFFFFFFC0, v3  }
0x4a: {  	v2 =	vor.u32 v2, v3  }
0x4b: {  	v2 =	vperm.xlane v2, v0;
	_ =	sdelay $0x1  }
0x4c: {  	v2 =	vadd.s32 v1, v2;
	_ =	sdelay $0x4  }
0x4d: {  	[tilespmem:s18], [sflag:$0x3] =	stream.indirect_vreg.gather [hbm4b:s1+s3], $0x80, v2, vm0, $0xb8;
	[tilespmem:$0x10200] =	vst v63  }
0x4e: {  	_ = 	snop  }
0x4f: {  	[tilespmem:s12], [sflag:$0x3] =	stream.indirect_vreg.gather [hbm4b:s5+s3], $0x80, v2, vm0, $0xb8;
	[tilespmem:$0x10200] =	vst v63  }
0x50: {  	s8 =	simm.s32 $0x5200  }
0x51: {  	[tilespmem:s8], [sflag:$0x3] =	stream.indirect_vreg.gather [hbm4b:s6+s3], $0x80, v2, vm0, $0xb8;
	[tilespmem:$0x10200] =	vst v63  }
0x52: {  	s12 =	simm.s32 $0x5A00  }
0x53: {  	[tilespmem:s12], [sflag:$0x3] =	stream.indirect_vreg.gather [hbm4b:s7+s3], $0x80, v2, vm0, $0xb8;
	[tilespmem:$0x10200] =	vst v63  }
0x54: {  	v2 =	vld.msk [tilespmem:$0x18], $0xff;
	_ =	sdelay $0x4  }
0x55: {  	v3 =	vshll.u32 v2, $0x3  }
0x56: {  	v2 =	vand.u32 $0x7, v2;
	v3 =	vand.u32 $0xFFFFFFC0, v3  }
0x57: {  	v2 =	vor.u32 v2, v3  }
0x58: {  	v2 =	vperm.xlane v2, v0;
	_ =	sdelay $0x1  }
0x59: {  	v2 =	vadd.s32 v1, v2;
	_ =	sdelay $0x4  }
0x5a: {  	[tilespmem:s16], [sflag:$0x4] =	stream.indirect_vreg.gather [hbm4b:s1+s3], $0x80, v2, vm0, $0xb8;
	[tilespmem:$0x10200] =	vst v63  }
0x5b: {  	_ = 	snop  }
0x5c: {  	[tilespmem:s22], [sflag:$0x4] =	stream.indirect_vreg.gather [hbm4b:s5+s3], $0x80, v2, vm0, $0xb8;
	[tilespmem:$0x10200] =	vst v63  }
0x5d: {  	s16 =	simm.s32 $0x7200  }
0x5e: {  	[tilespmem:s16], [sflag:$0x4] =	stream.indirect_vreg.gather [hbm4b:s6+s3], $0x80, v2, vm0, $0xb8;
	[tilespmem:$0x10200] =	vst v63  }
0x5f: {  	s18 =	simm.s32 $0x7A00  }
0x60: {  	[tilespmem:s18], [sflag:$0x4] =	stream.indirect_vreg.gather [hbm4b:s7+s3], $0x80, v2, vm0, $0xb8;
	[tilespmem:$0x10200] =	vst v63  }
0x61: {  	v2 =	vld.msk [tilespmem:$0x20], $0xff;
	_ =	sdelay $0x4  }
0x62: {  	v3 =	vshll.u32 v2, $0x3  }
0x63: {  	v2 =	vand.u32 $0x7, v2;
	v3 =	vand.u32 $0xFFFFFFC0, v3  }
0x64: {  	v2 =	vor.u32 v2, v3  }
0x65: {  	v2 =	vperm.xlane v2, v0;
	_ =	sdelay $0x1  }
0x66: {  	v2 =	vadd.s32 v1, v2;
	_ =	sdelay $0x4  }
0x67: {  	[tilespmem:s29], [sflag:$0x5] =	stream.indirect_vreg.gather [hbm4b:s1+s3], $0x80, v2, vm0, $0xb8;
	[tilespmem:$0x10200] =	vst v63  }
0x68: {  	_ = 	snop  }
0x69: {  	[tilespmem:s30], [sflag:$0x5] =	stream.indirect_vreg.gather [hbm4b:s5+s3], $0x80, v2, vm0, $0xb8;
	[tilespmem:$0x10200] =	vst v63  }
0x6a: {  	s22 =	simm.s32 $0x9200  }
0x6b: {  	[tilespmem:s22], [sflag:$0x5] =	stream.indirect_vreg.gather [hbm4b:s6+s3], $0x80, v2, vm0, $0xb8;
	[tilespmem:$0x10200] =	vst v63  }
0x6c: {  	s23 =	simm.s32 $0x9A00  }
0x6d: {  	[tilespmem:s23], [sflag:$0x5] =	stream.indirect_vreg.gather [hbm4b:s7+s3], $0x80, v2, vm0, $0xb8;
	[tilespmem:$0x10200] =	vst v63  }
0x6e: {  	v2 =	vld.msk [tilespmem:$0x28], $0xff;
	_ =	sdelay $0x4  }
0x6f: {  	v3 =	vshll.u32 v2, $0x3  }
0x70: {  	v2 =	vand.u32 $0x7, v2;
	v3 =	vand.u32 $0xFFFFFFC0, v3  }
0x71: {  	v2 =	vor.u32 v2, v3  }
0x72: {  	v2 =	vperm.xlane v2, v0;
	_ =	sdelay $0x1  }
0x73: {  	v2 =	vadd.s32 v1, v2;
	_ =	sdelay $0x4  }
0x74: {  	[tilespmem:s31], [sflag:$0x6] =	stream.indirect_vreg.gather [hbm4b:s1+s3], $0x80, v2, vm0, $0xb8;
	[tilespmem:$0x10200] =	vst v63  }
0x75: {  	_ = 	snop  }
0x76: {  	[tilespmem:s2], [sflag:$0x6] =	stream.indirect_vreg.gather [hbm4b:s5+s3], $0x80, v2, vm0, $0xb8;
	[tilespmem:$0x10200] =	vst v63  }
0x77: {  	s25 =	simm.s32 $0xB200  }
0x78: {  	[tilespmem:s25], [sflag:$0x6] =	stream.indirect_vreg.gather [hbm4b:s6+s3], $0x80, v2, vm0, $0xb8;
	[tilespmem:$0x10200] =	vst v63  }
0x79: {  	s26 =	simm.s32 $0xBA00  }
0x7a: {  	[tilespmem:s26], [sflag:$0x6] =	stream.indirect_vreg.gather [hbm4b:s7+s3], $0x80, v2, vm0, $0xb8;
	[tilespmem:$0x10200] =	vst v63  }
0x7b: {  	v2 =	vld.msk [tilespmem:$0x30], $0xff;
	_ =	sdelay $0x4  }
0x7c: {  	v3 =	vshll.u32 v2, $0x3  }
0x7d: {  	v2 =	vand.u32 $0x7, v2;
	v3 =	vand.u32 $0xFFFFFFC0, v3  }
0x7e: {  	v2 =	vor.u32 v2, v3  }
0x7f: {  	v2 =	vperm.xlane v2, v0;
	_ =	sdelay $0x1  }
0x80: {  	v2 =	vadd.s32 v1, v2;
	_ =	sdelay $0x4  }
0x81: {  	[tilespmem:s17], [sflag:$0x7] =	stream.indirect_vreg.gather [hbm4b:s1+s3], $0x80, v2, vm0, $0xb8;
	[tilespmem:$0x10200] =	vst v63  }
0x82: {  	_ = 	snop  }
0x83: {  	[tilespmem:s4], [sflag:$0x7] =	stream.indirect_vreg.gather [hbm4b:s5+s3], $0x80, v2, vm0, $0xb8;
	[tilespmem:$0x10200] =	vst v63  }
0x84: {  	s28 =	simm.s32 $0xD200  }
0x85: {  	[tilespmem:s28], [sflag:$0x7] =	stream.indirect_vreg.gather [hbm4b:s6+s3], $0x80, v2, vm0, $0xb8;
	[tilespmem:$0x10200] =	vst v63  }
0x86: {  	s29 =	simm.s32 $0xDA00  }
0x87: {  	[tilespmem:s29], [sflag:$0x7] =	stream.indirect_vreg.gather [hbm4b:s7+s3], $0x80, v2, vm0, $0xb8;
	[tilespmem:$0x10200] =	vst v63  }
0x88: {  	v2 =	vld.msk [tilespmem:$0x38], $0xff;
	_ =	sdelay $0x4  }
0x89: {  	v3 =	vshll.u32 v2, $0x3  }
0x8a: {  	v2 =	vand.u32 $0x7, v2;
	v3 =	vand.u32 $0xFFFFFFC0, v3  }
0x8b: {  	v2 =	vor.u32 v2, v3  }
0x8c: {  	v2 =	vperm.xlane v2, v0;
	_ =	sdelay $0x1  }
0x8d: {  	v2 =	vadd.s32 v1, v2;
	_ =	sdelay $0x4  }
0x8e: {  	[tilespmem:s9], [sflag:$0x8] =	stream.indirect_vreg.gather [hbm4b:s1+s3], $0x80, v2, vm0, $0xb8;
	[tilespmem:$0x10200] =	vst v63  }
0x8f: {  	_ = 	snop  }
0x90: {  	[tilespmem:s10], [sflag:$0x8] =	stream.indirect_vreg.gather [hbm4b:s5+s3], $0x80, v2, vm0, $0xb8;
	[tilespmem:$0x10200] =	vst v63  }
0x91: {  	s13 =	simm.s32 $0x8;
	s11 =	simm.s32 $0x1;
	s30 =	simm.s32 $0xF200  }
0x92: {  	[tilespmem:s30], [sflag:$0x8] =	stream.indirect_vreg.gather [hbm4b:s6+s3], $0x80, v2, vm0, $0xb8;
	[tilespmem:$0x10200] =	vst v63  }
0x93: {  	s31 =	simm.s32 $0xFA00;
	s25 =	simm.s32 $0x78;
	s26 =	simm.s32 $0x0  }
0x94: {  	[tilespmem:s31], [sflag:$0x8] =	stream.indirect_vreg.gather [hbm4b:s7+s3], $0x80, v2, vm0, $0xb8;
	[tilespmem:$0x10200] =	vst v63  }
.LBB2_2:
0x95: {  	_ =	swait.ge [sflag:s11], $0x2000  }
0x96: {  	s0 =	simm.s32 $0x200;
	s23 =	rddreg [dreg:$0xb];
	[sflag:s11] =	ssyncset.done $0x0  }
0x97: {  	s2 =	simm.s32 $0x9;
	[sflag:s11] =	ssyncadd.s32 $0xFFFFE000;
	s23 =	sadd.s32 s26, s23  }
0x98: {  	[hbm4b:s23+s3] =	stream.linear.scatter [tilespmem:s0], [sflag:$0x9], $0x2000, $0x38;
	[tilespmem:$0x10200] =	vst v63  }
0x99: {  	_ =	swait.ge [sflag:s2], $0x2000  }
0x9a: {  	[sflag:s2] =	ssyncset.done $0x0  }
0x9b: {  	[sflag:s2] =	ssyncadd.s32 $0xFFFFE000  }
0x9c: {  	v2 =	vld.msk [tilespmem:s25+$0xFFFFFFC8], $0xff;
	_ =	sdelay $0x4  }
0x9d: {  	v3 =	vshll.u32 v2, $0x3  }
0x9e: {  	v2 =	vand.u32 $0x7, v2;
	v3 =	vand.u32 $0xFFFFFFC0, v3  }
0x9f: {  	v2 =	vor.u32 v2, v3  }
0xa0: {  	v2 =	vperm.xlane v2, v0;
	_ =	sdelay $0x1  }
0xa1: {  	v2 =	vadd.s32 v1, v2;
	_ =	sdelay $0x4  }
0xa2: {  	[tilespmem:s0], [sflag:$0x1] =	stream.indirect_vreg.gather [hbm4b:s1+s3], $0x80, v2, vm0, $0xb8;
	[tilespmem:$0x10200] =	vst v63  }
0xa3: {  	s10 =	simm.s32 $0xA00  }
0xa4: {  	[tilespmem:s10], [sflag:$0x1] =	stream.indirect_vreg.gather [hbm4b:s5+s3], $0x80, v2, vm0, $0xb8;
	[tilespmem:$0x10200] =	vst v63  }
0xa5: {  	s0 =	simm.s32 $0x1200  }
0xa6: {  	[tilespmem:s0], [sflag:$0x1] =	stream.indirect_vreg.gather [hbm4b:s6+s3], $0x80, v2, vm0, $0xb8;
	[tilespmem:$0x10200] =	vst v63  }
0xa7: {  	s12 =	simm.s32 $0x1A00  }
0xa8: {  	[tilespmem:s12], [sflag:$0x1] =	stream.indirect_vreg.gather [hbm4b:s7+s3], $0x80, v2, vm0, $0xb8;
	[tilespmem:$0x10200] =	vst v63  }
0xa9: {  	_ =	swait.ge [sflag:s14], $0x2000  }
0xaa: {  	s18 =	simm.s32 $0x2200;
	s16 =	rddreg [dreg:$0xa];
	[sflag:s14] =	ssyncset.done $0x0  }
0xab: {  	s17 =	simm.s32 $0xA;
	[sflag:s14] =	ssyncadd.s32 $0xFFFFE000;
	s23 =	sadd.s32 s26, s16  }
0xac: {  	[hbm4b:s23+s3] =	stream.linear.scatter [tilespmem:s18], [sflag:$0xA], $0x2000, $0x38;
	[tilespmem:$0x10200] =	vst v63  }
0xad: {  	_ =	swait.ge [sflag:s17], $0x2000  }
0xae: {  	[sflag:s17] =	ssyncset.done $0x0  }
0xaf: {  	[sflag:s17] =	ssyncadd.s32 $0xFFFFE000  }
0xb0: {  	v2 =	vld.msk [tilespmem:s25+$0xFFFFFFD0], $0xff;
	_ =	sdelay $0x4  }
0xb1: {  	v3 =	vshll.u32 v2, $0x3  }
0xb2: {  	v2 =	vand.u32 $0x7, v2;
	v3 =	vand.u32 $0xFFFFFFC0, v3  }
0xb3: {  	v2 =	vor.u32 v2, v3  }
0xb4: {  	v2 =	vperm.xlane v2, v0;
	_ =	sdelay $0x1  }
0xb5: {  	v2 =	vadd.s32 v1, v2;
	_ =	sdelay $0x4  }
0xb6: {  	[tilespmem:s18], [sflag:$0x2] =	stream.indirect_vreg.gather [hbm4b:s1+s3], $0x80, v2, vm0, $0xb8;
	[tilespmem:$0x10200] =	vst v63  }
0xb7: {  	s22 =	simm.s32 $0x2A00  }
0xb8: {  	[tilespmem:s22], [sflag:$0x2] =	stream.indirect_vreg.gather [hbm4b:s5+s3], $0x80, v2, vm0, $0xb8;
	[tilespmem:$0x10200] =	vst v63  }
0xb9: {  	s23 =	simm.s32 $0x3200  }
0xba: {  	[tilespmem:s23], [sflag:$0x2] =	stream.indirect_vreg.gather [hbm4b:s6+s3], $0x80, v2, vm0, $0xb8;
	[tilespmem:$0x10200] =	vst v63  }
0xbb: {  	s4 =	simm.s32 $0x3A00  }
0xbc: {  	[tilespmem:s4], [sflag:$0x2] =	stream.indirect_vreg.gather [hbm4b:s7+s3], $0x80, v2, vm0, $0xb8;
	[tilespmem:$0x10200] =	vst v63  }
0xbd: {  	_ =	swait.ge [sflag:s19], $0x2000  }
0xbe: {  	s10 =	simm.s32 $0xB;
	s9 =	rddreg [dreg:$0x9];
	[sflag:s19] =	ssyncset.done $0x0  }
0xbf: {  	s12 =	simm.s32 $0x4200;
	[sflag:s19] =	ssyncadd.s32 $0xFFFFE000;
	s23 =	sadd.s32 s26, s9  }
0xc0: {  	[hbm4b:s23+s3] =	stream.linear.scatter [tilespmem:s12], [sflag:$0xB], $0x2000, $0x38;
	[tilespmem:$0x10200] =	vst v63  }
0xc1: {  	_ =	swait.ge [sflag:s10], $0x2000  }
0xc2: {  	[sflag:s10] =	ssyncset.done $0x0  }
0xc3: {  	[sflag:s10] =	ssyncadd.s32 $0xFFFFE000  }
0xc4: {  	v2 =	vld.msk [tilespmem:s25+$0xFFFFFFD8], $0xff;
	_ =	sdelay $0x4  }
0xc5: {  	v3 =	vshll.u32 v2, $0x3  }
0xc6: {  	v2 =	vand.u32 $0x7, v2;
	v3 =	vand.u32 $0xFFFFFFC0, v3  }
0xc7: {  	v2 =	vor.u32 v2, v3  }
0xc8: {  	v2 =	vperm.xlane v2, v0;
	_ =	sdelay $0x1  }
0xc9: {  	v2 =	vadd.s32 v1, v2;
	_ =	sdelay $0x4  }
0xca: {  	[tilespmem:s12], [sflag:$0x3] =	stream.indirect_vreg.gather [hbm4b:s1+s3], $0x80, v2, vm0, $0xb8;
	[tilespmem:$0x10200] =	vst v63  }
0xcb: {  	s12 =	simm.s32 $0x4A00  }
0xcc: {  	[tilespmem:s12], [sflag:$0x3] =	stream.indirect_vreg.gather [hbm4b:s5+s3], $0x80, v2, vm0, $0xb8;
	[tilespmem:$0x10200] =	vst v63  }
0xcd: {  	s16 =	simm.s32 $0x5200  }
0xce: {  	[tilespmem:s16], [sflag:$0x3] =	stream.indirect_vreg.gather [hbm4b:s6+s3], $0x80, v2, vm0, $0xb8;
	[tilespmem:$0x10200] =	vst v63  }
0xcf: {  	s17 =	simm.s32 $0x5A00  }
0xd0: {  	[tilespmem:s17], [sflag:$0x3] =	stream.indirect_vreg.gather [hbm4b:s7+s3], $0x80, v2, vm0, $0xb8;
	[tilespmem:$0x10200] =	vst v63  }
0xd1: {  	_ =	swait.ge [sflag:s21], $0x2000  }
0xd2: {  	s22 =	rddreg [dreg:$0x8];
	[sflag:s21] =	ssyncset.done $0x0  }
0xd3: {  	[sflag:s21] =	ssyncadd.s32 $0xFFFFE000;
	s23 =	sadd.s32 s26, s22;
	s22 =	simm.s32 $0x6200  }
0xd4: {  	[hbm4b:s23+s3] =	stream.linear.scatter [tilespmem:s22], [sflag:$0xC], $0x2000, $0x38;
	[tilespmem:$0x10200] =	vst v63  }
0xd5: {  	s23 =	simm.s32 $0xC  }
0xd6: {  	_ =	swait.ge [sflag:s23], $0x2000  }
0xd7: {  	[sflag:s23] =	ssyncset.done $0x0  }
0xd8: {  	[sflag:s23] =	ssyncadd.s32 $0xFFFFE000  }
0xd9: {  	v2 =	vld.msk [tilespmem:s25+$0xFFFFFFE0], $0xff;
	_ =	sdelay $0x4  }
0xda: {  	v3 =	vshll.u32 v2, $0x3  }
0xdb: {  	v2 =	vand.u32 $0x7, v2;
	v3 =	vand.u32 $0xFFFFFFC0, v3  }
0xdc: {  	v2 =	vor.u32 v2, v3  }
0xdd: {  	v2 =	vperm.xlane v2, v0;
	_ =	sdelay $0x1  }
0xde: {  	v2 =	vadd.s32 v1, v2;
	_ =	sdelay $0x4  }
0xdf: {  	[tilespmem:s22], [sflag:$0x4] =	stream.indirect_vreg.gather [hbm4b:s1+s3], $0x80, v2, vm0, $0xb8;
	[tilespmem:$0x10200] =	vst v63  }
0xe0: {  	s22 =	simm.s32 $0x6A00  }
0xe1: {  	[tilespmem:s22], [sflag:$0x4] =	stream.indirect_vreg.gather [hbm4b:s5+s3], $0x80, v2, vm0, $0xb8;
	[tilespmem:$0x10200] =	vst v63  }
0xe2: {  	s4 =	simm.s32 $0x7200  }
0xe3: {  	[tilespmem:s4], [sflag:$0x4] =	stream.indirect_vreg.gather [hbm4b:s6+s3], $0x80, v2, vm0, $0xb8;
	[tilespmem:$0x10200] =	vst v63  }
0xe4: {  	s9 =	simm.s32 $0x7A00  }
0xe5: {  	[tilespmem:s9], [sflag:$0x4] =	stream.indirect_vreg.gather [hbm4b:s7+s3], $0x80, v2, vm0, $0xb8;
	[tilespmem:$0x10200] =	vst v63  }
0xe6: {  	_ =	swait.ge [sflag:s24], $0x2000  }
0xe7: {  	s30 =	simm.s32 $0x8200;
	s10 =	rddreg [dreg:$0x7];
	[sflag:s24] =	ssyncset.done $0x0  }
0xe8: {  	s17 =	simm.s32 $0xD;
	[sflag:s24] =	ssyncadd.s32 $0xFFFFE000;
	s23 =	sadd.s32 s26, s10  }
0xe9: {  	[hbm4b:s23+s3] =	stream.linear.scatter [tilespmem:s30], [sflag:$0xD], $0x2000, $0x38;
	[tilespmem:$0x10200] =	vst v63  }
0xea: {  	_ =	swait.ge [sflag:s17], $0x2000  }
0xeb: {  	[sflag:s17] =	ssyncset.done $0x0  }
0xec: {  	[sflag:s17] =	ssyncadd.s32 $0xFFFFE000  }
0xed: {  	v2 =	vld.msk [tilespmem:s25+$0xFFFFFFE8], $0xff;
	_ =	sdelay $0x4  }
0xee: {  	v3 =	vshll.u32 v2, $0x3  }
0xef: {  	v2 =	vand.u32 $0x7, v2;
	v3 =	vand.u32 $0xFFFFFFC0, v3  }
0xf0: {  	v2 =	vor.u32 v2, v3  }
0xf1: {  	v2 =	vperm.xlane v2, v0;
	_ =	sdelay $0x1  }
0xf2: {  	v2 =	vadd.s32 v1, v2;
	_ =	sdelay $0x4  }
0xf3: {  	[tilespmem:s30], [sflag:$0x5] =	stream.indirect_vreg.gather [hbm4b:s1+s3], $0x80, v2, vm0, $0xb8;
	[tilespmem:$0x10200] =	vst v63  }
0xf4: {  	s30 =	simm.s32 $0x8A00  }
0xf5: {  	[tilespmem:s30], [sflag:$0x5] =	stream.indirect_vreg.gather [hbm4b:s5+s3], $0x80, v2, vm0, $0xb8;
	[tilespmem:$0x10200] =	vst v63  }
0xf6: {  	s23 =	simm.s32 $0x9200  }
0xf7: {  	[tilespmem:s23], [sflag:$0x5] =	stream.indirect_vreg.gather [hbm4b:s6+s3], $0x80, v2, vm0, $0xb8;
	[tilespmem:$0x10200] =	vst v63  }
0xf8: {  	s4 =	simm.s32 $0x9A00  }
0xf9: {  	[tilespmem:s4], [sflag:$0x5] =	stream.indirect_vreg.gather [hbm4b:s7+s3], $0x80, v2, vm0, $0xb8;
	[tilespmem:$0x10200] =	vst v63  }
0xfa: {  	_ =	swait.ge [sflag:s20], $0x2000  }
0xfb: {  	s10 =	simm.s32 $0xA200;
	s9 =	rddreg [dreg:$0x6];
	[sflag:s20] =	ssyncset.done $0x0  }
0xfc: {  	s4 =	simm.s32 $0xE;
	[sflag:s20] =	ssyncadd.s32 $0xFFFFE000;
	s23 =	sadd.s32 s26, s9  }
0xfd: {  	[hbm4b:s23+s3] =	stream.linear.scatter [tilespmem:s10], [sflag:$0xE], $0x2000, $0x38;
	[tilespmem:$0x10200] =	vst v63  }
0xfe: {  	_ =	swait.ge [sflag:s4], $0x2000  }
0xff: {  	[sflag:s4] =	ssyncset.done $0x0  }
0x100: {  	[sflag:s4] =	ssyncadd.s32 $0xFFFFE000  }
0x101: {  	v2 =	vld.msk [tilespmem:s25+$0xFFFFFFF0], $0xff;
	_ =	sdelay $0x4  }
0x102: {  	v3 =	vshll.u32 v2, $0x3  }
0x103: {  	v2 =	vand.u32 $0x7, v2;
	v3 =	vand.u32 $0xFFFFFFC0, v3  }
0x104: {  	v2 =	vor.u32 v2, v3  }
0x105: {  	v2 =	vperm.xlane v2, v0;
	_ =	sdelay $0x1  }
0x106: {  	v2 =	vadd.s32 v1, v2;
	_ =	sdelay $0x4  }
0x107: {  	[tilespmem:s10], [sflag:$0x6] =	stream.indirect_vreg.gather [hbm4b:s1+s3], $0x80, v2, vm0, $0xb8;
	[tilespmem:$0x10200] =	vst v63  }
0x108: {  	s2 =	simm.s32 $0xAA00  }
0x109: {  	[tilespmem:s2], [sflag:$0x6] =	stream.indirect_vreg.gather [hbm4b:s5+s3], $0x80, v2, vm0, $0xb8;
	[tilespmem:$0x10200] =	vst v63  }
0x10a: {  	s17 =	simm.s32 $0xB200  }
0x10b: {  	[tilespmem:s17], [sflag:$0x6] =	stream.indirect_vreg.gather [hbm4b:s6+s3], $0x80, v2, vm0, $0xb8;
	[tilespmem:$0x10200] =	vst v63  }
0x10c: {  	s23 =	simm.s32 $0xBA00  }
0x10d: {  	[tilespmem:s23], [sflag:$0x6] =	stream.indirect_vreg.gather [hbm4b:s7+s3], $0x80, v2, vm0, $0xb8;
	[tilespmem:$0x10200] =	vst v63  }
0x10e: {  	_ =	swait.ge [sflag:s15], $0x2000  }
0x10f: {  	s10 =	simm.s32 $0xC200;
	s9 =	rddreg [dreg:$0x5];
	[sflag:s15] =	ssyncset.done $0x0  }
0x110: {  	[sflag:s15] =	ssyncadd.s32 $0xFFFFE000;
	s23 =	sadd.s32 s26, s9;
	s9 =	simm.s32 $0xF  }
0x111: {  	[hbm4b:s23+s3] =	stream.linear.scatter [tilespmem:s10], [sflag:$0xF], $0x2000, $0x38;
	[tilespmem:$0x10200] =	vst v63  }
0x112: {  	_ =	swait.ge [sflag:s9], $0x2000  }
0x113: {  	[sflag:s9] =	ssyncset.done $0x0  }
0x114: {  	[sflag:s9] =	ssyncadd.s32 $0xFFFFE000  }
0x115: {  	v2 =	vld.msk [tilespmem:s25+$0xFFFFFFF8], $0xff;
	_ =	sdelay $0x4  }
0x116: {  	v3 =	vshll.u32 v2, $0x3  }
0x117: {  	v2 =	vand.u32 $0x7, v2;
	v3 =	vand.u32 $0xFFFFFFC0, v3  }
0x118: {  	v2 =	vor.u32 v2, v3  }
0x119: {  	v2 =	vperm.xlane v2, v0;
	_ =	sdelay $0x1  }
0x11a: {  	v2 =	vadd.s32 v1, v2;
	_ =	sdelay $0x4  }
0x11b: {  	[tilespmem:s10], [sflag:$0x7] =	stream.indirect_vreg.gather [hbm4b:s1+s3], $0x80, v2, vm0, $0xb8;
	[tilespmem:$0x10200] =	vst v63  }
0x11c: {  	s4 =	simm.s32 $0xCA00  }
0x11d: {  	[tilespmem:s4], [sflag:$0x7] =	stream.indirect_vreg.gather [hbm4b:s5+s3], $0x80, v2, vm0, $0xb8;
	[tilespmem:$0x10200] =	vst v63  }
0x11e: {  	s10 =	simm.s32 $0xD200  }
0x11f: {  	[tilespmem:s10], [sflag:$0x7] =	stream.indirect_vreg.gather [hbm4b:s6+s3], $0x80, v2, vm0, $0xb8;
	[tilespmem:$0x10200] =	vst v63  }
0x120: {  	s23 =	simm.s32 $0xDA00  }
0x121: {  	[tilespmem:s23], [sflag:$0x7] =	stream.indirect_vreg.gather [hbm4b:s7+s3], $0x80, v2, vm0, $0xb8;
	[tilespmem:$0x10200] =	vst v63  }
0x122: {  	_ =	swait.ge [sflag:s13], $0x2000  }
0x123: {  	s10 =	rddreg [dreg:$0x4];
	[sflag:s13] =	ssyncset.done $0x0  }
0x124: {  	[sflag:s13] =	ssyncadd.s32 $0xFFFFE000;
	s23 =	sadd.s32 s26, s10;
	s10 =	simm.s32 $0xE200  }
0x125: {  	[hbm4b:s23+s3] =	stream.linear.scatter [tilespmem:s10], [sflag:$0x10], $0x2000, $0x38;
	[tilespmem:$0x10200] =	vst v63  }
0x126: {  	s23 =	simm.s32 $0x10  }
0x127: {  	_ =	swait.ge [sflag:s23], $0x2000  }
0x128: {  	[sflag:s23] =	ssyncset.done $0x0  }
0x129: {  	[sflag:s23] =	ssyncadd.s32 $0xFFFFE000  }
0x12a: {  	v2 =	vld.msk [tilespmem:s25+$0x0], $0xff;
	_ =	sdelay $0x4  }
0x12b: {  	v3 =	vshll.u32 v2, $0x3  }
0x12c: {  	v2 =	vand.u32 $0x7, v2;
	v3 =	vand.u32 $0xFFFFFFC0, v3  }
0x12d: {  	v2 =	vor.u32 v2, v3  }
0x12e: {  	v2 =	vperm.xlane v2, v0;
	_ =	sdelay $0x1  }
0x12f: {  	v2 =	vadd.s32 v1, v2;
	_ =	sdelay $0x3  }
0x130: {  	s28 =	simm.s32 $0x200;
	s8 =	simm.s32 $0x2200;
	s29 =	simm.s32 $0x8200  }
0x131: {  	[tilespmem:s10], [sflag:$0x8] =	stream.indirect_vreg.gather [hbm4b:s1+s3], $0x80, v2, vm0, $0xb8;
	[tilespmem:$0x10200] =	vst v63  }
0x132: {  	s31 =	simm.s32 $0xA200;
	p0 =	sne.s32 s26, $0xC000;
	s10 =	simm.s32 $0xEA00  }
0x133: {  	[tilespmem:s10], [sflag:$0x8] =	stream.indirect_vreg.gather [hbm4b:s5+s3], $0x80, v2, vm0, $0xb8;
	[tilespmem:$0x10200] =	vst v63  }
.Ltmp0:
0x134: {  	s18 =	simm.s32 $0x4200;
	s16 =	simm.s32 $0x6200;
	(pc) =	sbr.rel @p0 .LBB2_2-.Ltmp0, $4  }
0x135: {  	s17 =	simm.s32 $0xC200;
	s9 =	simm.s32 $0xE200;
	s23 =	simm.s32 $0xF200  }
0x136: {  	[tilespmem:s23], [sflag:$0x8] =	stream.indirect_vreg.gather [hbm4b:s6+s3], $0x80, v2, vm0, $0xb8;
	[tilespmem:$0x10200] =	vst v63  }
0x137: {  	s26 =	sadd.s32 $0x2000, s26;
	s25 =	sadd.s32 $0x40, s25;
	s23 =	simm.s32 $0xFA00  }
0x138: {  	[tilespmem:s23], [sflag:$0x8] =	stream.indirect_vreg.gather [hbm4b:s7+s3], $0x80, v2, vm0, $0xb8;
	[tilespmem:$0x10200] =	vst v63  }
0x139: {  	_ =	swait.ge [sflag:s11], $0x2000  }
0x13a: {  	[sflag:s11] =	ssyncset.done $0x0  }
0x13b: {  	s23 =	rddreg [dreg:$0xd];
	[sflag:s11] =	ssyncadd.s32 $0xFFFFE000  }
0x13c: {  	[hbm4b:s23+s3] =	stream.linear.scatter [tilespmem:s28], [sflag:$0x9], $0x2000, $0x38;
	[tilespmem:$0x10200] =	vst v63  }
0x13d: {  	_ =	swait.ge [sflag:s14], $0x2000  }
0x13e: {  	[sflag:s14] =	ssyncset.done $0x0  }
0x13f: {  	s25 =	rddreg [dreg:$0xe];
	[sflag:s14] =	ssyncadd.s32 $0xFFFFE000  }
0x140: {  	[hbm4b:s25+s3] =	stream.linear.scatter [tilespmem:s8], [sflag:$0xA], $0x2000, $0x38;
	[tilespmem:$0x10200] =	vst v63  }
0x141: {  	_ =	swait.ge [sflag:s19], $0x2000  }
0x142: {  	[sflag:s19] =	ssyncset.done $0x0  }
0x143: {  	s26 =	rddreg [dreg:$0xf];
	[sflag:s19] =	ssyncadd.s32 $0xFFFFE000  }
0x144: {  	[hbm4b:s26+s3] =	stream.linear.scatter [tilespmem:s18], [sflag:$0xB], $0x2000, $0x38;
	[tilespmem:$0x10200] =	vst v63  }
0x145: {  	_ =	swait.ge [sflag:s21], $0x2000  }
0x146: {  	[sflag:s21] =	ssyncset.done $0x0  }
0x147: {  	s11 =	rddreg [dreg:$0x10];
	[sflag:s21] =	ssyncadd.s32 $0xFFFFE000  }
0x148: {  	[hbm4b:s11+s3] =	stream.linear.scatter [tilespmem:s16], [sflag:$0xC], $0x2000, $0x38;
	[tilespmem:$0x10200] =	vst v63  }
0x149: {  	_ =	swait.ge [sflag:s24], $0x2000  }
0x14a: {  	[sflag:s24] =	ssyncset.done $0x0  }
0x14b: {  	s25 =	rddreg [dreg:$0x11];
	[sflag:s24] =	ssyncadd.s32 $0xFFFFE000  }
0x14c: {  	[hbm4b:s25+s3] =	stream.linear.scatter [tilespmem:s29], [sflag:$0xD], $0x2000, $0x38;
	[tilespmem:$0x10200] =	vst v63  }
0x14d: {  	_ =	swait.ge [sflag:s20], $0x2000  }
0x14e: {  	[sflag:s20] =	ssyncset.done $0x0  }
0x14f: {  	s26 =	rddreg [dreg:$0x12];
	[sflag:s20] =	ssyncadd.s32 $0xFFFFE000  }
0x150: {  	[hbm4b:s26+s3] =	stream.linear.scatter [tilespmem:s31], [sflag:$0xE], $0x2000, $0x38;
	[tilespmem:$0x10200] =	vst v63  }
0x151: {  	_ =	swait.ge [sflag:s15], $0x2000  }
0x152: {  	[sflag:s15] =	ssyncset.done $0x0  }
0x153: {  	s11 =	rddreg [dreg:$0x13];
	[sflag:s15] =	ssyncadd.s32 $0xFFFFE000  }
0x154: {  	[hbm4b:s11+s3] =	stream.linear.scatter [tilespmem:s17], [sflag:$0xF], $0x2000, $0x38;
	[tilespmem:$0x10200] =	vst v63  }
0x155: {  	_ =	swait.ge [sflag:s13], $0x2000  }
0x156: {  	[sflag:s13] =	ssyncset.done $0x0  }
0x157: {  	s26 =	simm.s32 $0x9;
	s25 =	rddreg [dreg:$0x14];
	[sflag:s13] =	ssyncadd.s32 $0xFFFFE000  }
0x158: {  	[hbm4b:s25+s3] =	stream.linear.scatter [tilespmem:s9], [sflag:$0x10], $0x2000, $0x38;
	[tilespmem:$0x10200] =	vst v63  }
0x159: {  	_ =	swait.ge [sflag:s26], $0x2000  }
0x15a: {  	[sflag:s26] =	ssyncset.done $0x0  }
0x15b: {  	s13 =	simm.s32 $0xA;
	[sflag:s26] =	ssyncadd.s32 $0xFFFFE000  }
0x15c: {  	_ =	swait.ge [sflag:s13], $0x2000  }
0x15d: {  	[sflag:s13] =	ssyncset.done $0x0  }
0x15e: {  	s23 =	simm.s32 $0xB;
	[sflag:s13] =	ssyncadd.s32 $0xFFFFE000  }
0x15f: {  	_ =	swait.ge [sflag:s23], $0x2000  }
0x160: {  	[sflag:s23] =	ssyncset.done $0x0  }
0x161: {  	s25 =	simm.s32 $0xC;
	[sflag:s23] =	ssyncadd.s32 $0xFFFFE000  }
0x162: {  	_ =	swait.ge [sflag:s25], $0x2000  }
0x163: {  	[sflag:s25] =	ssyncset.done $0x0  }
0x164: {  	s26 =	simm.s32 $0xD;
	[sflag:s25] =	ssyncadd.s32 $0xFFFFE000  }
0x165: {  	_ =	swait.ge [sflag:s26], $0x2000  }
0x166: {  	[sflag:s26] =	ssyncset.done $0x0  }
0x167: {  	s13 =	simm.s32 $0xE;
	[sflag:s26] =	ssyncadd.s32 $0xFFFFE000  }
0x168: {  	_ =	swait.ge [sflag:s13], $0x2000  }
0x169: {  	[sflag:s13] =	ssyncset.done $0x0  }
0x16a: {  	s23 =	simm.s32 $0xF;
	[sflag:s13] =	ssyncadd.s32 $0xFFFFE000  }
0x16b: {  	_ =	swait.ge [sflag:s23], $0x2000  }
0x16c: {  	[sflag:s23] =	ssyncset.done $0x0  }
0x16d: {  	s13 =	simm.s32 $0x10;
	[sflag:s23] =	ssyncadd.s32 $0xFFFFE000  }
0x16e: {  	_ =	swait.ge [sflag:s13], $0x2000  }
0x16f: {  	s25 =	rddreg [dreg:$0x16]  }
0x170: {  	s26 =	rddreg [dreg:$0x15];
	s11 =	sadd.s32 $0x1, s25  }
0x171: {  	p0 =	sne.s32 s11, s26  }
.Ltmp1:
0x172: {  	_ = 	snop;
	(pc) =	sbr.rel @p0 .LBB2_1-.Ltmp1, $3  }
0x173: {  	_ =	sdelay $0x1  }
0x174: {  	[sflag:s13] =	ssyncset.done $0x0  }
0x175: {  	s28 =	simm.s32 $0x1A00;
	[sflag:s13] =	ssyncadd.s32 $0xFFFFE000  }
0x176: {  	_ =	sfence.sel $0x180000  }
0x177: {  	[bflag:$0x0] =	sbarrier.arrive $0xFFFF  }
0x178: {  	_ =	strace $0x90000047  }
0x179: {  	s0 =	stileid.u32;
	[bflag:$0x2] =	sbarrier.arrive $0xFFFF  }
0x17a: {  	p0 =	sne.s32 s0, $0x0;
	s0 =	rddreg [dreg:$0x3]  }
0x17b: {  	s0 =	sadd.s32 @!p0 $0x100000, s0  }
0x17c: {  	[sflag:s0] =	ssyncadd.tile.s32 @!p0 $0x1;
	_ =	shalt  }
.Lfunc_end2:
_tile_overlayer_lowered:
.L_overlay_start_2:
0x17d: {  	(tag) =	ssettag $0x2  }
0x17e: {  	s0 =	rddreg [dreg:$0x0];
	s2 =	stileid.u32  }
0x17f: {  	s1 =	rddreg [dreg:$0x1];
	p0 =	sne.s32 s2, $0x0  }
0x180: {  	s3 =	rddreg [dreg:$0x2];
	[bflag:$0x3] =	sbarrier.arrive $0xFFFF;
	s2 =	simm.s32 @!p0 $0x1C11  }
0x181: {  	[timem:s3], [sflag:s2] =	dma.local @!p0 [hbm:s0], s1  }
0x182: {  	s0 =	simm.s32 @!p0 $0x11  }
0x183: {  	_ =	swait.ge @!p0 [sflag:s0], s1  }
0x184: {  	s1 =	ssub.s32 @!p0 $0x0, s1;
	[sflag:s0] =	ssyncset.done @!p0 $0x0  }
0x185: {  	[sflag:s0] =	ssyncadd.s32 @!p0 s1  }
0x186: {  	[bflag:$0x3] =	sbarrier.arrive $0xFFFF  }
0x187: {  	_ =	shalt  }

</sc_bundles>
